<compile_context>
chip_gen: v7x
topology: tpu7x:2x2x1
jax: 0.10.2.dev20260603
libtpu: 0.0.44.dev20260713+nightly
codegen_flags: <defaults>
</compile_context>

<pallas_src>
import functools

import jax
import jax.numpy as jnp
from jax import lax
from jax.experimental import pallas as pl
from jax.experimental.pallas import tpu as pltpu
from jax.experimental.pallas import tpu_sc as plsc

_NUM_CORES = 2
_NUM_SUBCORES = 16
_NW = _NUM_CORES * _NUM_SUBCORES

_NBUF = 4
_CHUNK = 208


def _make_gather(num_rows, dim, batch, nfields):
    assert batch % (_NW * _CHUNK) == 0
    b_per_w = batch // _NW
    nchunks = b_per_w // _CHUNK
    assert nchunks >= 2 * _NBUF
    mesh = plsc.VectorSubcoreMesh(core_axis_name="c", subcore_axis_name="s")

    @functools.partial(
        pl.kernel,
        mesh=mesh,
        compiler_params=pltpu.CompilerParams(use_tc_tiling_on_sc=False),
        out_type=jax.ShapeDtypeStruct((batch, 2 * dim), jnp.float32),
        scratch_types=[
            pltpu.VMEM((b_per_w,), jnp.int32),
            pltpu.VMEM((_NBUF, _CHUNK, 2 * dim), jnp.float32),
            pltpu.SemaphoreType.DMA((_NBUF,)),
            pltpu.SemaphoreType.DMA((_NBUF,)),
        ],
    )
    def gather(table_hbm, idx_hbm, out_hbm, idx_v, rows_v, gsem, ssem):
        wid = lax.axis_index("s") * _NUM_CORES + lax.axis_index("c")
        base = wid * b_per_w
        pltpu.sync_copy(idx_hbm.at[pl.ds(base, b_per_w)], idx_v)
        out_flat = out_hbm

        def start_gather(g, b):
            pltpu.async_copy(
                table_hbm.at[idx_v.at[pl.ds(g * _CHUNK, _CHUNK)]],
                rows_v.at[b],
                gsem.at[b],
            )

        def start_store(g, b):
            pltpu.async_copy(
                rows_v.at[b],
                out_flat.at[pl.ds(base + g * _CHUNK, _CHUNK)],
                ssem.at[b],
            )

        def wait_gather(g, b):
            pltpu.make_async_copy(
                table_hbm.at[idx_v.at[pl.ds(g * _CHUNK, _CHUNK)]],
                rows_v.at[b],
                gsem.at[b],
            ).wait()

        def wait_store(g, b):
            pltpu.make_async_copy(
                rows_v.at[b],
                out_flat.at[pl.ds(base + g * _CHUNK, _CHUNK)],
                ssem.at[b],
            ).wait()

        for i in range(_NBUF):
            start_gather(i, i)
            if i == _NBUF - 1:
                wait_gather(0, 0)
                start_store(0, 0)

        @pl.loop(_NBUF, nchunks)
        def _(i):
            b = lax.rem(i, _NBUF)
            bp = lax.rem(i + 1, _NBUF)
            wait_store(i - _NBUF, b)
            start_gather(i, b)
            wait_gather(i - _NBUF + 1, bp)
            start_store(i - _NBUF + 1, bp)

        for i in range(nchunks, nchunks + _NBUF):
            b = i % _NBUF
            bp = (i + 1) % _NBUF
            wait_store(i - _NBUF, b)
            if i < nchunks + _NBUF - 1:
                wait_gather(i - _NBUF + 1, bp)
                start_store(i - _NBUF + 1, bp)

    return gather


def kernel(indices, weight):
    num_rows, dim = weight.shape
    nbatch, nfields = indices.shape
    flat_t = indices.T.reshape(-1)
    wpad = jnp.pad(weight, ((0, 0), (0, dim)))
    gather = _make_gather(num_rows, dim, flat_t.shape[0], nfields)
    out = gather(wpad, flat_t)
    out = out.reshape(nfields, nbatch, 2 * dim)[:, :, :dim]
    return out.transpose(1, 0, 2)

# --- scband reference (transcript-rebuilt; emitter-appended) ---
"""Pipeline reference for scband-sparse-embedding-69011534512743 (READ-ONLY COPY).

The authoritative reference and input builder live on the scoring server;
editing this copy changes nothing except your own understanding.
"""

import jax, jax.numpy as jnp
import numpy as np

NUM_EMBEDDINGS = 1000000
EMBEDDING_DIM = 64
BATCH = 16384
N_FIELDS = 26


def setup_inputs(seed: int = 0) -> dict:
    key = jax.random.key(seed)
    k1, k2 = jax.random.split(key)
    indices = jax.random.randint(k1, (BATCH, N_FIELDS), 0, NUM_EMBEDDINGS, dtype=jnp.int32)
    # learned embedding table, initialized N(0, std=0.01) as in the module
    weight = jax.random.normal(k2, (NUM_EMBEDDINGS, EMBEDDING_DIM), dtype=jnp.float32) * 0.01
    return {"indices": indices, "weight": weight}


def reference(indices, weight):
    # Faithful translation of SparseEmbeddingFunc.forward_single (single-rank path):
    #   unique_indices, inverse = unique(indices.view(-1))
    #   embeds = weight[unique_indices]          (index_to_cuda gather)
    #   embeds = embeds[inverse].view(indices.shape + (C,))
    flat = indices.reshape(-1)
    unique_indices, inverse = jnp.unique(flat, return_inverse=True, size=flat.shape[0], fill_value=0)
    gathered = jnp.take(weight, unique_indices.astype(jnp.int32), axis=0)
    embeds = jnp.take(gathered, inverse.reshape(-1), axis=0)
    embeds = embeds.reshape(indices.shape + (weight.shape[-1],))
    return embeds

if __name__ == "__main__":
    import jax
    _d = setup_inputs()
    print(jax.jit(kernel)(*tuple(_d.values())))

</pallas_src>

<mosaic_0001>
#map = affine_map<(d0, d1) -> (0, 0)>
#map1 = affine_map<(d0, d1) -> (0)>
module attributes {stable_mosaic.version = 14 : i64} {
  func.func @gather(%arg0: i32, %arg1: i32, %arg2: memref<1000000x128xf32, #tpu.memory_space<hbm>>, %arg3: memref<425984xi32, #tpu.memory_space<hbm>>, %arg4: memref<425984x128xf32, #tpu.memory_space<hbm>>, %arg5: memref<13312xi32, #tpu.memory_space<vmem>>, %arg6: memref<4x208x128xf32, #tpu.memory_space<vmem>>, %arg7: memref<4x!tpu.dma_semaphore, #tpu.memory_space<semaphore_mem>>, %arg8: memref<4x!tpu.dma_semaphore, #tpu.memory_space<semaphore_mem>>) attributes {dimension_semantics = [#tpu.dimension_semantics<core_parallel>, #tpu.dimension_semantics<subcore_parallel>], iteration_bounds = array<i64: 2, 16>, scalar_prefetch = 0 : i64, scratch_operands = 4 : i64, tpu.core_type = #tpu.core_type<sc_vector_subcore>, window_params = [{transform_indices = #map}, {transform_indices = #map1}, {transform_indices = #map}]} {
    %mul3A = arith.constant 2 : i32
    %mul3A_0 = arith.muli %arg1, %mul3A : i32
    %add3A = arith.addi %mul3A_0, %arg0 : i32
    %mul3A_1 = arith.constant 13312 : i32
    %mul3A_2 = arith.muli %add3A, %mul3A_1 : i32
    "tpu.region"() ({
      %run_scoped3A = tpu.sem_alloc : memref<!tpu.dma_semaphore, #tpu.memory_space<semaphore_mem>>
      %dma_start3A_253 = tpu.memref_slice %arg3[%mul3A_2] : memref<425984xi32, #tpu.memory_space<hbm>> -> memref<13312xi32, #tpu.memory_space<hbm>>
      %dma_start3A_254 = tpu.memref_slice %arg3[%mul3A_2] : memref<425984xi32, #tpu.memory_space<hbm>> -> memref<13312xi32, #tpu.memory_space<hbm>>
      tpu.enqueue_dma source(%dma_start3A_254 : memref<13312xi32, #tpu.memory_space<hbm>>) target(%arg5 : memref<13312xi32, #tpu.memory_space<vmem>>) target_semaphore(%run_scoped3A : memref<!tpu.dma_semaphore, #tpu.memory_space<semaphore_mem>>)
      %dma_wait3A_255 = tpu.memref_slice %arg3[%mul3A_2] : memref<425984xi32, #tpu.memory_space<hbm>> -> memref<13312xi32, #tpu.memory_space<hbm>>
      %dma_wait3A_256 = tpu.memref_slice %arg3[%mul3A_2] : memref<425984xi32, #tpu.memory_space<hbm>> -> memref<13312xi32, #tpu.memory_space<hbm>>
      tpu.wait_dma2 semaphore(%run_scoped3A : memref<!tpu.dma_semaphore, #tpu.memory_space<semaphore_mem>>) src(%dma_wait3A_256 : memref<13312xi32, #tpu.memory_space<hbm>>) dst(%arg5 : memref<13312xi32, #tpu.memory_space<vmem>>)
      tpu.yield
    }) : () -> ()
    %dma_start3A = arith.constant 0 : i32
    %dma_start3A_3 = arith.constant 0 : i32
    %dma_start3A_4 = arith.constant 0 : i32
    %dma_start3A_5 = arith.constant 0 : i32
    %dma_start3A_6 = tpu.memref_slice %arg6[%dma_start3A, %dma_start3A_4, %dma_start3A_5] : memref<4x208x128xf32, #tpu.memory_space<vmem>> -> memref<1x208x128xf32, #tpu.memory_space<vmem>>
    %dma_start3A_7 = tpu.memref_squeeze %dma_start3A_6 : memref<1x208x128xf32, #tpu.memory_space<vmem>> -> memref<208x128xf32, #tpu.memory_space<vmem>>
    %dma_start3A_8 = arith.constant 0 : i32
    %dma_start3A_9 = tpu.memref_slice %arg5[%dma_start3A_8] : memref<13312xi32, #tpu.memory_space<vmem>> -> memref<208xi32, #tpu.memory_space<vmem>>
    %dma_start3A_10 = arith.constant 0 : i32
    %dma_start3A_11 = arith.constant 0 : i32
    %dma_start3A_12 = tpu.memref_slice %arg2[%dma_start3A_10, %dma_start3A_11] : memref<1000000x128xf32, #tpu.memory_space<hbm>> -> memref<1000000x128xf32, #tpu.memory_space<hbm>>
    %dma_start3A_13 = tpu.memref_slice %arg7[%dma_start3A_3] : memref<4x!tpu.dma_semaphore, #tpu.memory_space<semaphore_mem>> -> memref<1x!tpu.dma_semaphore, #tpu.memory_space<semaphore_mem>>
    %dma_start3A_14 = tpu.memref_squeeze %dma_start3A_13 : memref<1x!tpu.dma_semaphore, #tpu.memory_space<semaphore_mem>> -> memref<!tpu.dma_semaphore, #tpu.memory_space<semaphore_mem>>
    tpu.enqueue_indirect_dma source(%dma_start3A_12 : memref<1000000x128xf32, #tpu.memory_space<hbm>>) target(%dma_start3A_7 : memref<208x128xf32, #tpu.memory_space<vmem>>) offsets(%dma_start3A_9 : memref<208xi32, #tpu.memory_space<vmem>>) semaphore(%dma_start3A_14 : memref<!tpu.dma_semaphore, #tpu.memory_space<semaphore_mem>>)
    %dma_start3A_15 = arith.constant 1 : i32
    %dma_start3A_16 = arith.constant 1 : i32
    %dma_start3A_17 = arith.constant 0 : i32
    %dma_start3A_18 = arith.constant 0 : i32
    %dma_start3A_19 = tpu.memref_slice %arg6[%dma_start3A_15, %dma_start3A_17, %dma_start3A_18] : memref<4x208x128xf32, #tpu.memory_space<vmem>> -> memref<1x208x128xf32, #tpu.memory_space<vmem>>
    %dma_start3A_20 = tpu.memref_squeeze %dma_start3A_19 : memref<1x208x128xf32, #tpu.memory_space<vmem>> -> memref<208x128xf32, #tpu.memory_space<vmem>>
    %dma_start3A_21 = arith.constant 208 : i32
    %dma_start3A_22 = tpu.memref_slice %arg5[%dma_start3A_21] : memref<13312xi32, #tpu.memory_space<vmem>> -> memref<208xi32, #tpu.memory_space<vmem>>
    %dma_start3A_23 = arith.constant 0 : i32
    %dma_start3A_24 = arith.constant 0 : i32
    %dma_start3A_25 = tpu.memref_slice %arg2[%dma_start3A_23, %dma_start3A_24] : memref<1000000x128xf32, #tpu.memory_space<hbm>> -> memref<1000000x128xf32, #tpu.memory_space<hbm>>
    %dma_start3A_26 = tpu.memref_slice %arg7[%dma_start3A_16] : memref<4x!tpu.dma_semaphore, #tpu.memory_space<semaphore_mem>> -> memref<1x!tpu.dma_semaphore, #tpu.memory_space<semaphore_mem>>
    %dma_start3A_27 = tpu.memref_squeeze %dma_start3A_26 : memref<1x!tpu.dma_semaphore, #tpu.memory_space<semaphore_mem>> -> memref<!tpu.dma_semaphore, #tpu.memory_space<semaphore_mem>>
    tpu.enqueue_indirect_dma source(%dma_start3A_25 : memref<1000000x128xf32, #tpu.memory_space<hbm>>) target(%dma_start3A_20 : memref<208x128xf32, #tpu.memory_space<vmem>>) offsets(%dma_start3A_22 : memref<208xi32, #tpu.memory_space<vmem>>) semaphore(%dma_start3A_27 : memref<!tpu.dma_semaphore, #tpu.memory_space<semaphore_mem>>)
    %dma_start3A_28 = arith.constant 2 : i32
    %dma_start3A_29 = arith.constant 2 : i32
    %dma_start3A_30 = arith.constant 0 : i32
    %dma_start3A_31 = arith.constant 0 : i32
    %dma_start3A_32 = tpu.memref_slice %arg6[%dma_start3A_28, %dma_start3A_30, %dma_start3A_31] : memref<4x208x128xf32, #tpu.memory_space<vmem>> -> memref<1x208x128xf32, #tpu.memory_space<vmem>>
    %dma_start3A_33 = tpu.memref_squeeze %dma_start3A_32 : memref<1x208x128xf32, #tpu.memory_space<vmem>> -> memref<208x128xf32, #tpu.memory_space<vmem>>
    %dma_start3A_34 = arith.constant 416 : i32
    %dma_start3A_35 = tpu.memref_slice %arg5[%dma_start3A_34] : memref<13312xi32, #tpu.memory_space<vmem>> -> memref<208xi32, #tpu.memory_space<vmem>>
    %dma_start3A_36 = arith.constant 0 : i32
    %dma_start3A_37 = arith.constant 0 : i32
    %dma_start3A_38 = tpu.memref_slice %arg2[%dma_start3A_36, %dma_start3A_37] : memref<1000000x128xf32, #tpu.memory_space<hbm>> -> memref<1000000x128xf32, #tpu.memory_space<hbm>>
    %dma_start3A_39 = tpu.memref_slice %arg7[%dma_start3A_29] : memref<4x!tpu.dma_semaphore, #tpu.memory_space<semaphore_mem>> -> memref<1x!tpu.dma_semaphore, #tpu.memory_space<semaphore_mem>>
    %dma_start3A_40 = tpu.memref_squeeze %dma_start3A_39 : memref<1x!tpu.dma_semaphore, #tpu.memory_space<semaphore_mem>> -> memref<!tpu.dma_semaphore, #tpu.memory_space<semaphore_mem>>
    tpu.enqueue_indirect_dma source(%dma_start3A_38 : memref<1000000x128xf32, #tpu.memory_space<hbm>>) target(%dma_start3A_33 : memref<208x128xf32, #tpu.memory_space<vmem>>) offsets(%dma_start3A_35 : memref<208xi32, #tpu.memory_space<vmem>>) semaphore(%dma_start3A_40 : memref<!tpu.dma_semaphore, #tpu.memory_space<semaphore_mem>>)
    %dma_start3A_41 = arith.constant 3 : i32
    %dma_start3A_42 = arith.constant 3 : i32
    %dma_start3A_43 = arith.constant 0 : i32
    %dma_start3A_44 = arith.constant 0 : i32
    %dma_start3A_45 = tpu.memref_slice %arg6[%dma_start3A_41, %dma_start3A_43, %dma_start3A_44] : memref<4x208x128xf32, #tpu.memory_space<vmem>> -> memref<1x208x128xf32, #tpu.memory_space<vmem>>
    %dma_start3A_46 = tpu.memref_squeeze %dma_start3A_45 : memref<1x208x128xf32, #tpu.memory_space<vmem>> -> memref<208x128xf32, #tpu.memory_space<vmem>>
    %dma_start3A_47 = arith.constant 624 : i32
    %dma_start3A_48 = tpu.memref_slice %arg5[%dma_start3A_47] : memref<13312xi32, #tpu.memory_space<vmem>> -> memref<208xi32, #tpu.memory_space<vmem>>
    %dma_start3A_49 = arith.constant 0 : i32
    %dma_start3A_50 = arith.constant 0 : i32
    %dma_start3A_51 = tpu.memref_slice %arg2[%dma_start3A_49, %dma_start3A_50] : memref<1000000x128xf32, #tpu.memory_space<hbm>> -> memref<1000000x128xf32, #tpu.memory_space<hbm>>
    %dma_start3A_52 = tpu.memref_slice %arg7[%dma_start3A_42] : memref<4x!tpu.dma_semaphore, #tpu.memory_space<semaphore_mem>> -> memref<1x!tpu.dma_semaphore, #tpu.memory_space<semaphore_mem>>
    %dma_start3A_53 = tpu.memref_squeeze %dma_start3A_52 : memref<1x!tpu.dma_semaphore, #tpu.memory_space<semaphore_mem>> -> memref<!tpu.dma_semaphore, #tpu.memory_space<semaphore_mem>>
    tpu.enqueue_indirect_dma source(%dma_start3A_51 : memref<1000000x128xf32, #tpu.memory_space<hbm>>) target(%dma_start3A_46 : memref<208x128xf32, #tpu.memory_space<vmem>>) offsets(%dma_start3A_48 : memref<208xi32, #tpu.memory_space<vmem>>) semaphore(%dma_start3A_53 : memref<!tpu.dma_semaphore, #tpu.memory_space<semaphore_mem>>)
    %dma_wait3A = arith.constant 0 : i32
    %dma_wait3A_54 = arith.constant 0 : i32
    %dma_wait3A_55 = arith.constant 0 : i32
    %dma_wait3A_56 = arith.constant 0 : i32
    %dma_wait3A_57 = tpu.memref_slice %arg6[%dma_wait3A, %dma_wait3A_55, %dma_wait3A_56] : memref<4x208x128xf32, #tpu.memory_space<vmem>> -> memref<1x208x128xf32, #tpu.memory_space<vmem>>
    %dma_wait3A_58 = tpu.memref_squeeze %dma_wait3A_57 : memref<1x208x128xf32, #tpu.memory_space<vmem>> -> memref<208x128xf32, #tpu.memory_space<vmem>>
    %dma_wait3A_59 = arith.constant 0 : i32
    %dma_wait3A_60 = tpu.memref_slice %arg5[%dma_wait3A_59] : memref<13312xi32, #tpu.memory_space<vmem>> -> memref<208xi32, #tpu.memory_space<vmem>>
    %dma_wait3A_61 = arith.constant 0 : i32
    %dma_wait3A_62 = arith.constant 0 : i32
    %dma_wait3A_63 = tpu.memref_slice %arg2[%dma_wait3A_61, %dma_wait3A_62] : memref<1000000x128xf32, #tpu.memory_space<hbm>> -> memref<1000000x128xf32, #tpu.memory_space<hbm>>
    %dma_wait3A_64 = tpu.memref_slice %arg7[%dma_wait3A_54] : memref<4x!tpu.dma_semaphore, #tpu.memory_space<semaphore_mem>> -> memref<1x!tpu.dma_semaphore, #tpu.memory_space<semaphore_mem>>
    %dma_wait3A_65 = tpu.memref_squeeze %dma_wait3A_64 : memref<1x!tpu.dma_semaphore, #tpu.memory_space<semaphore_mem>> -> memref<!tpu.dma_semaphore, #tpu.memory_space<semaphore_mem>>
    tpu.wait_indirect_dma semaphore(%dma_wait3A_65 : memref<!tpu.dma_semaphore, #tpu.memory_space<semaphore_mem>>) src(%dma_wait3A_63 : memref<1000000x128xf32, #tpu.memory_space<hbm>>) dst(%dma_wait3A_58 : memref<208x128xf32, #tpu.memory_space<vmem>>)
    %add3A_66 = arith.constant 0 : i32
    %add3A_67 = arith.addi %mul3A_2, %add3A_66 : i32
    %dma_start3A_68 = arith.constant 0 : i32
    %dma_start3A_69 = arith.constant 0 : i32
    %dma_start3A_70 = arith.constant 0 : i32
    %dma_start3A_71 = arith.constant 0 : i32
    %dma_start3A_72 = tpu.memref_slice %arg6[%dma_start3A_68, %dma_start3A_70, %dma_start3A_71] : memref<4x208x128xf32, #tpu.memory_space<vmem>> -> memref<1x208x128xf32, #tpu.memory_space<vmem>>
    %dma_start3A_73 = tpu.memref_squeeze %dma_start3A_72 : memref<1x208x128xf32, #tpu.memory_space<vmem>> -> memref<208x128xf32, #tpu.memory_space<vmem>>
    %dma_start3A_74 = arith.constant 0 : i32
    %dma_start3A_75 = tpu.memref_slice %arg4[%add3A_67, %dma_start3A_74] : memref<425984x128xf32, #tpu.memory_space<hbm>> -> memref<208x128xf32, #tpu.memory_space<hbm>>
    %dma_start3A_76 = tpu.memref_slice %arg8[%dma_start3A_69] : memref<4x!tpu.dma_semaphore, #tpu.memory_space<semaphore_mem>> -> memref<1x!tpu.dma_semaphore, #tpu.memory_space<semaphore_mem>>
    %dma_start3A_77 = tpu.memref_squeeze %dma_start3A_76 : memref<1x!tpu.dma_semaphore, #tpu.memory_space<semaphore_mem>> -> memref<!tpu.dma_semaphore, #tpu.memory_space<semaphore_mem>>
    %dma_start3A_78 = arith.constant 0 : i32
    %dma_start3A_79 = tpu.memref_slice %arg4[%add3A_67, %dma_start3A_78] : memref<425984x128xf32, #tpu.memory_space<hbm>> -> memref<208x128xf32, #tpu.memory_space<hbm>>
    %dma_start3A_80 = arith.constant 0 : i32
    %dma_start3A_81 = arith.constant 0 : i32
    %dma_start3A_82 = tpu.memref_slice %arg6[%dma_start3A_68, %dma_start3A_80, %dma_start3A_81] : memref<4x208x128xf32, #tpu.memory_space<vmem>> -> memref<1x208x128xf32, #tpu.memory_space<vmem>>
    %dma_start3A_83 = tpu.memref_squeeze %dma_start3A_82 : memref<1x208x128xf32, #tpu.memory_space<vmem>> -> memref<208x128xf32, #tpu.memory_space<vmem>>
    tpu.enqueue_dma source(%dma_start3A_83 : memref<208x128xf32, #tpu.memory_space<vmem>>) target(%dma_start3A_79 : memref<208x128xf32, #tpu.memory_space<hbm>>) target_semaphore(%dma_start3A_77 : memref<!tpu.dma_semaphore, #tpu.memory_space<semaphore_mem>>)
    %scan3A = arith.constant 0 : i32
    %scan3A_84 = arith.constant 60 : i32
    %scan3A_85 = arith.addi %scan3A, %scan3A_84 : i32
    %scan3A_86 = arith.constant 1 : i32
    scf.for %scan3A_253 = %scan3A to %scan3A_85 step %scan3A_86  : i32 {
      %mul3A_254 = arith.constant 1 : i32
      %mul3A_255 = arith.muli %scan3A_253, %mul3A_254 : i32
      %add3A_256 = arith.constant 4 : i32
      %add3A_257 = arith.addi %add3A_256, %mul3A_255 : i32
      %rem3A = arith.constant 4 : i32
      %rem3A_258 = arith.remsi %add3A_257, %rem3A : i32
      %add3A_259 = arith.constant 1 : i32
      %add3A_260 = arith.addi %add3A_257, %add3A_259 : i32
      %rem3A_261 = arith.constant 4 : i32
      %rem3A_262 = arith.remsi %add3A_260, %rem3A_261 : i32
      %sub3A = arith.constant 4 : i32
      %sub3A_263 = arith.subi %add3A_257, %sub3A : i32
      %mul3A_264 = arith.constant 208 : i32
      %mul3A_265 = arith.muli %sub3A_263, %mul3A_264 : i32
      %add3A_266 = arith.addi %mul3A_2, %mul3A_265 : i32
      %dma_wait3A_267 = arith.constant 0 : i32
      %dma_wait3A_268 = arith.constant 0 : i32
      %dma_wait3A_269 = tpu.memref_slice %arg6[%rem3A_258, %dma_wait3A_267, %dma_wait3A_268] : memref<4x208x128xf32, #tpu.memory_space<vmem>> -> memref<1x208x128xf32, #tpu.memory_space<vmem>>
      %dma_wait3A_270 = tpu.memref_squeeze %dma_wait3A_269 : memref<1x208x128xf32, #tpu.memory_space<vmem>> -> memref<208x128xf32, #tpu.memory_space<vmem>>
      %dma_wait3A_271 = arith.constant 0 : i32
      %dma_wait3A_272 = tpu.memref_slice %arg4[%add3A_266, %dma_wait3A_271] : memref<425984x128xf32, #tpu.memory_space<hbm>> -> memref<208x128xf32, #tpu.memory_space<hbm>>
      %dma_wait3A_273 = tpu.memref_slice %arg8[%rem3A_258] : memref<4x!tpu.dma_semaphore, #tpu.memory_space<semaphore_mem>> -> memref<1x!tpu.dma_semaphore, #tpu.memory_space<semaphore_mem>>
      %dma_wait3A_274 = tpu.memref_squeeze %dma_wait3A_273 : memref<1x!tpu.dma_semaphore, #tpu.memory_space<semaphore_mem>> -> memref<!tpu.dma_semaphore, #tpu.memory_space<semaphore_mem>>
      %dma_wait3A_275 = arith.constant 0 : i32
      %dma_wait3A_276 = tpu.memref_slice %arg4[%add3A_266, %dma_wait3A_275] : memref<425984x128xf32, #tpu.memory_space<hbm>> -> memref<208x128xf32, #tpu.memory_space<hbm>>
      %dma_wait3A_277 = arith.constant 0 : i32
      %dma_wait3A_278 = arith.constant 0 : i32
      %dma_wait3A_279 = tpu.memref_slice %arg6[%rem3A_258, %dma_wait3A_277, %dma_wait3A_278] : memref<4x208x128xf32, #tpu.memory_space<vmem>> -> memref<1x208x128xf32, #tpu.memory_space<vmem>>
      %dma_wait3A_280 = tpu.memref_squeeze %dma_wait3A_279 : memref<1x208x128xf32, #tpu.memory_space<vmem>> -> memref<208x128xf32, #tpu.memory_space<vmem>>
      tpu.wait_dma2 semaphore(%dma_wait3A_274 : memref<!tpu.dma_semaphore, #tpu.memory_space<semaphore_mem>>) src(%dma_wait3A_280 : memref<208x128xf32, #tpu.memory_space<vmem>>) dst(%dma_wait3A_276 : memref<208x128xf32, #tpu.memory_space<hbm>>)
      %mul3A_281 = arith.constant 208 : i32
      %mul3A_282 = arith.muli %add3A_257, %mul3A_281 : i32
      %dma_start3A_283 = arith.constant 0 : i32
      %dma_start3A_284 = arith.constant 0 : i32
      %dma_start3A_285 = tpu.memref_slice %arg6[%rem3A_258, %dma_start3A_283, %dma_start3A_284] : memref<4x208x128xf32, #tpu.memory_space<vmem>> -> memref<1x208x128xf32, #tpu.memory_space<vmem>>
      %dma_start3A_286 = tpu.memref_squeeze %dma_start3A_285 : memref<1x208x128xf32, #tpu.memory_space<vmem>> -> memref<208x128xf32, #tpu.memory_space<vmem>>
      %dma_start3A_287 = tpu.memref_slice %arg5[%mul3A_282] : memref<13312xi32, #tpu.memory_space<vmem>> -> memref<208xi32, #tpu.memory_space<vmem>>
      %dma_start3A_288 = arith.constant 0 : i32
      %dma_start3A_289 = arith.constant 0 : i32
      %dma_start3A_290 = tpu.memref_slice %arg2[%dma_start3A_288, %dma_start3A_289] : memref<1000000x128xf32, #tpu.memory_space<hbm>> -> memref<1000000x128xf32, #tpu.memory_space<hbm>>
      %dma_start3A_291 = tpu.memref_slice %arg7[%rem3A_258] : memref<4x!tpu.dma_semaphore, #tpu.memory_space<semaphore_mem>> -> memref<1x!tpu.dma_semaphore, #tpu.memory_space<semaphore_mem>>
      %dma_start3A_292 = tpu.memref_squeeze %dma_start3A_291 : memref<1x!tpu.dma_semaphore, #tpu.memory_space<semaphore_mem>> -> memref<!tpu.dma_semaphore, #tpu.memory_space<semaphore_mem>>
      tpu.enqueue_indirect_dma source(%dma_start3A_290 : memref<1000000x128xf32, #tpu.memory_space<hbm>>) target(%dma_start3A_286 : memref<208x128xf32, #tpu.memory_space<vmem>>) offsets(%dma_start3A_287 : memref<208xi32, #tpu.memory_space<vmem>>) semaphore(%dma_start3A_292 : memref<!tpu.dma_semaphore, #tpu.memory_space<semaphore_mem>>)
      %sub3A_293 = arith.constant 4 : i32
      %sub3A_294 = arith.subi %add3A_257, %sub3A_293 : i32
      %add3A_295 = arith.constant 1 : i32
      %add3A_296 = arith.addi %sub3A_294, %add3A_295 : i32
      %mul3A_297 = arith.constant 208 : i32
      %mul3A_298 = arith.muli %add3A_296, %mul3A_297 : i32
      %dma_wait3A_299 = arith.constant 0 : i32
      %dma_wait3A_300 = arith.constant 0 : i32
      %dma_wait3A_301 = tpu.memref_slice %arg6[%rem3A_262, %dma_wait3A_299, %dma_wait3A_300] : memref<4x208x128xf32, #tpu.memory_space<vmem>> -> memref<1x208x128xf32, #tpu.memory_space<vmem>>
      %dma_wait3A_302 = tpu.memref_squeeze %dma_wait3A_301 : memref<1x208x128xf32, #tpu.memory_space<vmem>> -> memref<208x128xf32, #tpu.memory_space<vmem>>
      %dma_wait3A_303 = tpu.memref_slice %arg5[%mul3A_298] : memref<13312xi32, #tpu.memory_space<vmem>> -> memref<208xi32, #tpu.memory_space<vmem>>
      %dma_wait3A_304 = arith.constant 0 : i32
      %dma_wait3A_305 = arith.constant 0 : i32
      %dma_wait3A_306 = tpu.memref_slice %arg2[%dma_wait3A_304, %dma_wait3A_305] : memref<1000000x128xf32, #tpu.memory_space<hbm>> -> memref<1000000x128xf32, #tpu.memory_space<hbm>>
      %dma_wait3A_307 = tpu.memref_slice %arg7[%rem3A_262] : memref<4x!tpu.dma_semaphore, #tpu.memory_space<semaphore_mem>> -> memref<1x!tpu.dma_semaphore, #tpu.memory_space<semaphore_mem>>
      %dma_wait3A_308 = tpu.memref_squeeze %dma_wait3A_307 : memref<1x!tpu.dma_semaphore, #tpu.memory_space<semaphore_mem>> -> memref<!tpu.dma_semaphore, #tpu.memory_space<semaphore_mem>>
      tpu.wait_indirect_dma semaphore(%dma_wait3A_308 : memref<!tpu.dma_semaphore, #tpu.memory_space<semaphore_mem>>) src(%dma_wait3A_306 : memref<1000000x128xf32, #tpu.memory_space<hbm>>) dst(%dma_wait3A_302 : memref<208x128xf32, #tpu.memory_space<vmem>>)
      %sub3A_309 = arith.constant 4 : i32
      %sub3A_310 = arith.subi %add3A_257, %sub3A_309 : i32
      %add3A_311 = arith.constant 1 : i32
      %add3A_312 = arith.addi %sub3A_310, %add3A_311 : i32
      %mul3A_313 = arith.constant 208 : i32
      %mul3A_314 = arith.muli %add3A_312, %mul3A_313 : i32
      %add3A_315 = arith.addi %mul3A_2, %mul3A_314 : i32
      %dma_start3A_316 = arith.constant 0 : i32
      %dma_start3A_317 = arith.constant 0 : i32
      %dma_start3A_318 = tpu.memref_slice %arg6[%rem3A_262, %dma_start3A_316, %dma_start3A_317] : memref<4x208x128xf32, #tpu.memory_space<vmem>> -> memref<1x208x128xf32, #tpu.memory_space<vmem>>
      %dma_start3A_319 = tpu.memref_squeeze %dma_start3A_318 : memref<1x208x128xf32, #tpu.memory_space<vmem>> -> memref<208x128xf32, #tpu.memory_space<vmem>>
      %dma_start3A_320 = arith.constant 0 : i32
      %dma_start3A_321 = tpu.memref_slice %arg4[%add3A_315, %dma_start3A_320] : memref<425984x128xf32, #tpu.memory_space<hbm>> -> memref<208x128xf32, #tpu.memory_space<hbm>>
      %dma_start3A_322 = tpu.memref_slice %arg8[%rem3A_262] : memref<4x!tpu.dma_semaphore, #tpu.memory_space<semaphore_mem>> -> memref<1x!tpu.dma_semaphore, #tpu.memory_space<semaphore_mem>>
      %dma_start3A_323 = tpu.memref_squeeze %dma_start3A_322 : memref<1x!tpu.dma_semaphore, #tpu.memory_space<semaphore_mem>> -> memref<!tpu.dma_semaphore, #tpu.memory_space<semaphore_mem>>
      %dma_start3A_324 = arith.constant 0 : i32
      %dma_start3A_325 = tpu.memref_slice %arg4[%add3A_315, %dma_start3A_324] : memref<425984x128xf32, #tpu.memory_space<hbm>> -> memref<208x128xf32, #tpu.memory_space<hbm>>
      %dma_start3A_326 = arith.constant 0 : i32
      %dma_start3A_327 = arith.constant 0 : i32
      %dma_start3A_328 = tpu.memref_slice %arg6[%rem3A_262, %dma_start3A_326, %dma_start3A_327] : memref<4x208x128xf32, #tpu.memory_space<vmem>> -> memref<1x208x128xf32, #tpu.memory_space<vmem>>
      %dma_start3A_329 = tpu.memref_squeeze %dma_start3A_328 : memref<1x208x128xf32, #tpu.memory_space<vmem>> -> memref<208x128xf32, #tpu.memory_space<vmem>>
      tpu.enqueue_dma source(%dma_start3A_329 : memref<208x128xf32, #tpu.memory_space<vmem>>) target(%dma_start3A_325 : memref<208x128xf32, #tpu.memory_space<hbm>>) target_semaphore(%dma_start3A_323 : memref<!tpu.dma_semaphore, #tpu.memory_space<semaphore_mem>>)
    }
    %scan3A_87 = arith.constant 60 : i32
    %add3A_88 = arith.constant 12480 : i32
    %add3A_89 = arith.addi %mul3A_2, %add3A_88 : i32
    %dma_wait3A_90 = arith.constant 0 : i32
    %dma_wait3A_91 = arith.constant 0 : i32
    %dma_wait3A_92 = arith.constant 0 : i32
    %dma_wait3A_93 = arith.constant 0 : i32
    %dma_wait3A_94 = tpu.memref_slice %arg6[%dma_wait3A_90, %dma_wait3A_92, %dma_wait3A_93] : memref<4x208x128xf32, #tpu.memory_space<vmem>> -> memref<1x208x128xf32, #tpu.memory_space<vmem>>
    %dma_wait3A_95 = tpu.memref_squeeze %dma_wait3A_94 : memref<1x208x128xf32, #tpu.memory_space<vmem>> -> memref<208x128xf32, #tpu.memory_space<vmem>>
    %dma_wait3A_96 = arith.constant 0 : i32
    %dma_wait3A_97 = tpu.memref_slice %arg4[%add3A_89, %dma_wait3A_96] : memref<425984x128xf32, #tpu.memory_space<hbm>> -> memref<208x128xf32, #tpu.memory_space<hbm>>
    %dma_wait3A_98 = tpu.memref_slice %arg8[%dma_wait3A_91] : memref<4x!tpu.dma_semaphore, #tpu.memory_space<semaphore_mem>> -> memref<1x!tpu.dma_semaphore, #tpu.memory_space<semaphore_mem>>
    %dma_wait3A_99 = tpu.memref_squeeze %dma_wait3A_98 : memref<1x!tpu.dma_semaphore, #tpu.memory_space<semaphore_mem>> -> memref<!tpu.dma_semaphore, #tpu.memory_space<semaphore_mem>>
    %dma_wait3A_100 = arith.constant 0 : i32
    %dma_wait3A_101 = tpu.memref_slice %arg4[%add3A_89, %dma_wait3A_100] : memref<425984x128xf32, #tpu.memory_space<hbm>> -> memref<208x128xf32, #tpu.memory_space<hbm>>
    %dma_wait3A_102 = arith.constant 0 : i32
    %dma_wait3A_103 = arith.constant 0 : i32
    %dma_wait3A_104 = tpu.memref_slice %arg6[%dma_wait3A_90, %dma_wait3A_102, %dma_wait3A_103] : memref<4x208x128xf32, #tpu.memory_space<vmem>> -> memref<1x208x128xf32, #tpu.memory_space<vmem>>
    %dma_wait3A_105 = tpu.memref_squeeze %dma_wait3A_104 : memref<1x208x128xf32, #tpu.memory_space<vmem>> -> memref<208x128xf32, #tpu.memory_space<vmem>>
    tpu.wait_dma2 semaphore(%dma_wait3A_99 : memref<!tpu.dma_semaphore, #tpu.memory_space<semaphore_mem>>) src(%dma_wait3A_105 : memref<208x128xf32, #tpu.memory_space<vmem>>) dst(%dma_wait3A_101 : memref<208x128xf32, #tpu.memory_space<hbm>>)
    %dma_wait3A_106 = arith.constant 1 : i32
    %dma_wait3A_107 = arith.constant 1 : i32
    %dma_wait3A_108 = arith.constant 0 : i32
    %dma_wait3A_109 = arith.constant 0 : i32
    %dma_wait3A_110 = tpu.memref_slice %arg6[%dma_wait3A_106, %dma_wait3A_108, %dma_wait3A_109] : memref<4x208x128xf32, #tpu.memory_space<vmem>> -> memref<1x208x128xf32, #tpu.memory_space<vmem>>
    %dma_wait3A_111 = tpu.memref_squeeze %dma_wait3A_110 : memref<1x208x128xf32, #tpu.memory_space<vmem>> -> memref<208x128xf32, #tpu.memory_space<vmem>>
    %dma_wait3A_112 = arith.constant 12688 : i32
    %dma_wait3A_113 = tpu.memref_slice %arg5[%dma_wait3A_112] : memref<13312xi32, #tpu.memory_space<vmem>> -> memref<208xi32, #tpu.memory_space<vmem>>
    %dma_wait3A_114 = arith.constant 0 : i32
    %dma_wait3A_115 = arith.constant 0 : i32
    %dma_wait3A_116 = tpu.memref_slice %arg2[%dma_wait3A_114, %dma_wait3A_115] : memref<1000000x128xf32, #tpu.memory_space<hbm>> -> memref<1000000x128xf32, #tpu.memory_space<hbm>>
    %dma_wait3A_117 = tpu.memref_slice %arg7[%dma_wait3A_107] : memref<4x!tpu.dma_semaphore, #tpu.memory_space<semaphore_mem>> -> memref<1x!tpu.dma_semaphore, #tpu.memory_space<semaphore_mem>>
    %dma_wait3A_118 = tpu.memref_squeeze %dma_wait3A_117 : memref<1x!tpu.dma_semaphore, #tpu.memory_space<semaphore_mem>> -> memref<!tpu.dma_semaphore, #tpu.memory_space<semaphore_mem>>
    tpu.wait_indirect_dma semaphore(%dma_wait3A_118 : memref<!tpu.dma_semaphore, #tpu.memory_space<semaphore_mem>>) src(%dma_wait3A_116 : memref<1000000x128xf32, #tpu.memory_space<hbm>>) dst(%dma_wait3A_111 : memref<208x128xf32, #tpu.memory_space<vmem>>)
    %add3A_119 = arith.constant 12688 : i32
    %add3A_120 = arith.addi %mul3A_2, %add3A_119 : i32
    %dma_start3A_121 = arith.constant 1 : i32
    %dma_start3A_122 = arith.constant 1 : i32
    %dma_start3A_123 = arith.constant 0 : i32
    %dma_start3A_124 = arith.constant 0 : i32
    %dma_start3A_125 = tpu.memref_slice %arg6[%dma_start3A_121, %dma_start3A_123, %dma_start3A_124] : memref<4x208x128xf32, #tpu.memory_space<vmem>> -> memref<1x208x128xf32, #tpu.memory_space<vmem>>
    %dma_start3A_126 = tpu.memref_squeeze %dma_start3A_125 : memref<1x208x128xf32, #tpu.memory_space<vmem>> -> memref<208x128xf32, #tpu.memory_space<vmem>>
    %dma_start3A_127 = arith.constant 0 : i32
    %dma_start3A_128 = tpu.memref_slice %arg4[%add3A_120, %dma_start3A_127] : memref<425984x128xf32, #tpu.memory_space<hbm>> -> memref<208x128xf32, #tpu.memory_space<hbm>>
    %dma_start3A_129 = tpu.memref_slice %arg8[%dma_start3A_122] : memref<4x!tpu.dma_semaphore, #tpu.memory_space<semaphore_mem>> -> memref<1x!tpu.dma_semaphore, #tpu.memory_space<semaphore_mem>>
    %dma_start3A_130 = tpu.memref_squeeze %dma_start3A_129 : memref<1x!tpu.dma_semaphore, #tpu.memory_space<semaphore_mem>> -> memref<!tpu.dma_semaphore, #tpu.memory_space<semaphore_mem>>
    %dma_start3A_131 = arith.constant 0 : i32
    %dma_start3A_132 = tpu.memref_slice %arg4[%add3A_120, %dma_start3A_131] : memref<425984x128xf32, #tpu.memory_space<hbm>> -> memref<208x128xf32, #tpu.memory_space<hbm>>
    %dma_start3A_133 = arith.constant 0 : i32
    %dma_start3A_134 = arith.constant 0 : i32
    %dma_start3A_135 = tpu.memref_slice %arg6[%dma_start3A_121, %dma_start3A_133, %dma_start3A_134] : memref<4x208x128xf32, #tpu.memory_space<vmem>> -> memref<1x208x128xf32, #tpu.memory_space<vmem>>
    %dma_start3A_136 = tpu.memref_squeeze %dma_start3A_135 : memref<1x208x128xf32, #tpu.memory_space<vmem>> -> memref<208x128xf32, #tpu.memory_space<vmem>>
    tpu.enqueue_dma source(%dma_start3A_136 : memref<208x128xf32, #tpu.memory_space<vmem>>) target(%dma_start3A_132 : memref<208x128xf32, #tpu.memory_space<hbm>>) target_semaphore(%dma_start3A_130 : memref<!tpu.dma_semaphore, #tpu.memory_space<semaphore_mem>>)
    %add3A_137 = arith.constant 12688 : i32
    %add3A_138 = arith.addi %mul3A_2, %add3A_137 : i32
    %dma_wait3A_139 = arith.constant 1 : i32
    %dma_wait3A_140 = arith.constant 1 : i32
    %dma_wait3A_141 = arith.constant 0 : i32
    %dma_wait3A_142 = arith.constant 0 : i32
    %dma_wait3A_143 = tpu.memref_slice %arg6[%dma_wait3A_139, %dma_wait3A_141, %dma_wait3A_142] : memref<4x208x128xf32, #tpu.memory_space<vmem>> -> memref<1x208x128xf32, #tpu.memory_space<vmem>>
    %dma_wait3A_144 = tpu.memref_squeeze %dma_wait3A_143 : memref<1x208x128xf32, #tpu.memory_space<vmem>> -> memref<208x128xf32, #tpu.memory_space<vmem>>
    %dma_wait3A_145 = arith.constant 0 : i32
    %dma_wait3A_146 = tpu.memref_slice %arg4[%add3A_138, %dma_wait3A_145] : memref<425984x128xf32, #tpu.memory_space<hbm>> -> memref<208x128xf32, #tpu.memory_space<hbm>>
    %dma_wait3A_147 = tpu.memref_slice %arg8[%dma_wait3A_140] : memref<4x!tpu.dma_semaphore, #tpu.memory_space<semaphore_mem>> -> memref<1x!tpu.dma_semaphore, #tpu.memory_space<semaphore_mem>>
    %dma_wait3A_148 = tpu.memref_squeeze %dma_wait3A_147 : memref<1x!tpu.dma_semaphore, #tpu.memory_space<semaphore_mem>> -> memref<!tpu.dma_semaphore, #tpu.memory_space<semaphore_mem>>
    %dma_wait3A_149 = arith.constant 0 : i32
    %dma_wait3A_150 = tpu.memref_slice %arg4[%add3A_138, %dma_wait3A_149] : memref<425984x128xf32, #tpu.memory_space<hbm>> -> memref<208x128xf32, #tpu.memory_space<hbm>>
    %dma_wait3A_151 = arith.constant 0 : i32
    %dma_wait3A_152 = arith.constant 0 : i32
    %dma_wait3A_153 = tpu.memref_slice %arg6[%dma_wait3A_139, %dma_wait3A_151, %dma_wait3A_152] : memref<4x208x128xf32, #tpu.memory_space<vmem>> -> memref<1x208x128xf32, #tpu.memory_space<vmem>>
    %dma_wait3A_154 = tpu.memref_squeeze %dma_wait3A_153 : memref<1x208x128xf32, #tpu.memory_space<vmem>> -> memref<208x128xf32, #tpu.memory_space<vmem>>
    tpu.wait_dma2 semaphore(%dma_wait3A_148 : memref<!tpu.dma_semaphore, #tpu.memory_space<semaphore_mem>>) src(%dma_wait3A_154 : memref<208x128xf32, #tpu.memory_space<vmem>>) dst(%dma_wait3A_150 : memref<208x128xf32, #tpu.memory_space<hbm>>)
    %dma_wait3A_155 = arith.constant 2 : i32
    %dma_wait3A_156 = arith.constant 2 : i32
    %dma_wait3A_157 = arith.constant 0 : i32
    %dma_wait3A_158 = arith.constant 0 : i32
    %dma_wait3A_159 = tpu.memref_slice %arg6[%dma_wait3A_155, %dma_wait3A_157, %dma_wait3A_158] : memref<4x208x128xf32, #tpu.memory_space<vmem>> -> memref<1x208x128xf32, #tpu.memory_space<vmem>>
    %dma_wait3A_160 = tpu.memref_squeeze %dma_wait3A_159 : memref<1x208x128xf32, #tpu.memory_space<vmem>> -> memref<208x128xf32, #tpu.memory_space<vmem>>
    %dma_wait3A_161 = arith.constant 12896 : i32
    %dma_wait3A_162 = tpu.memref_slice %arg5[%dma_wait3A_161] : memref<13312xi32, #tpu.memory_space<vmem>> -> memref<208xi32, #tpu.memory_space<vmem>>
    %dma_wait3A_163 = arith.constant 0 : i32
    %dma_wait3A_164 = arith.constant 0 : i32
    %dma_wait3A_165 = tpu.memref_slice %arg2[%dma_wait3A_163, %dma_wait3A_164] : memref<1000000x128xf32, #tpu.memory_space<hbm>> -> memref<1000000x128xf32, #tpu.memory_space<hbm>>
    %dma_wait3A_166 = tpu.memref_slice %arg7[%dma_wait3A_156] : memref<4x!tpu.dma_semaphore, #tpu.memory_space<semaphore_mem>> -> memref<1x!tpu.dma_semaphore, #tpu.memory_space<semaphore_mem>>
    %dma_wait3A_167 = tpu.memref_squeeze %dma_wait3A_166 : memref<1x!tpu.dma_semaphore, #tpu.memory_space<semaphore_mem>> -> memref<!tpu.dma_semaphore, #tpu.memory_space<semaphore_mem>>
    tpu.wait_indirect_dma semaphore(%dma_wait3A_167 : memref<!tpu.dma_semaphore, #tpu.memory_space<semaphore_mem>>) src(%dma_wait3A_165 : memref<1000000x128xf32, #tpu.memory_space<hbm>>) dst(%dma_wait3A_160 : memref<208x128xf32, #tpu.memory_space<vmem>>)
    %add3A_168 = arith.constant 12896 : i32
    %add3A_169 = arith.addi %mul3A_2, %add3A_168 : i32
    %dma_start3A_170 = arith.constant 2 : i32
    %dma_start3A_171 = arith.constant 2 : i32
    %dma_start3A_172 = arith.constant 0 : i32
    %dma_start3A_173 = arith.constant 0 : i32
    %dma_start3A_174 = tpu.memref_slice %arg6[%dma_start3A_170, %dma_start3A_172, %dma_start3A_173] : memref<4x208x128xf32, #tpu.memory_space<vmem>> -> memref<1x208x128xf32, #tpu.memory_space<vmem>>
    %dma_start3A_175 = tpu.memref_squeeze %dma_start3A_174 : memref<1x208x128xf32, #tpu.memory_space<vmem>> -> memref<208x128xf32, #tpu.memory_space<vmem>>
    %dma_start3A_176 = arith.constant 0 : i32
    %dma_start3A_177 = tpu.memref_slice %arg4[%add3A_169, %dma_start3A_176] : memref<425984x128xf32, #tpu.memory_space<hbm>> -> memref<208x128xf32, #tpu.memory_space<hbm>>
    %dma_start3A_178 = tpu.memref_slice %arg8[%dma_start3A_171] : memref<4x!tpu.dma_semaphore, #tpu.memory_space<semaphore_mem>> -> memref<1x!tpu.dma_semaphore, #tpu.memory_space<semaphore_mem>>
    %dma_start3A_179 = tpu.memref_squeeze %dma_start3A_178 : memref<1x!tpu.dma_semaphore, #tpu.memory_space<semaphore_mem>> -> memref<!tpu.dma_semaphore, #tpu.memory_space<semaphore_mem>>
    %dma_start3A_180 = arith.constant 0 : i32
    %dma_start3A_181 = tpu.memref_slice %arg4[%add3A_169, %dma_start3A_180] : memref<425984x128xf32, #tpu.memory_space<hbm>> -> memref<208x128xf32, #tpu.memory_space<hbm>>
    %dma_start3A_182 = arith.constant 0 : i32
    %dma_start3A_183 = arith.constant 0 : i32
    %dma_start3A_184 = tpu.memref_slice %arg6[%dma_start3A_170, %dma_start3A_182, %dma_start3A_183] : memref<4x208x128xf32, #tpu.memory_space<vmem>> -> memref<1x208x128xf32, #tpu.memory_space<vmem>>
    %dma_start3A_185 = tpu.memref_squeeze %dma_start3A_184 : memref<1x208x128xf32, #tpu.memory_space<vmem>> -> memref<208x128xf32, #tpu.memory_space<vmem>>
    tpu.enqueue_dma source(%dma_start3A_185 : memref<208x128xf32, #tpu.memory_space<vmem>>) target(%dma_start3A_181 : memref<208x128xf32, #tpu.memory_space<hbm>>) target_semaphore(%dma_start3A_179 : memref<!tpu.dma_semaphore, #tpu.memory_space<semaphore_mem>>)
    %add3A_186 = arith.constant 12896 : i32
    %add3A_187 = arith.addi %mul3A_2, %add3A_186 : i32
    %dma_wait3A_188 = arith.constant 2 : i32
    %dma_wait3A_189 = arith.constant 2 : i32
    %dma_wait3A_190 = arith.constant 0 : i32
    %dma_wait3A_191 = arith.constant 0 : i32
    %dma_wait3A_192 = tpu.memref_slice %arg6[%dma_wait3A_188, %dma_wait3A_190, %dma_wait3A_191] : memref<4x208x128xf32, #tpu.memory_space<vmem>> -> memref<1x208x128xf32, #tpu.memory_space<vmem>>
    %dma_wait3A_193 = tpu.memref_squeeze %dma_wait3A_192 : memref<1x208x128xf32, #tpu.memory_space<vmem>> -> memref<208x128xf32, #tpu.memory_space<vmem>>
    %dma_wait3A_194 = arith.constant 0 : i32
    %dma_wait3A_195 = tpu.memref_slice %arg4[%add3A_187, %dma_wait3A_194] : memref<425984x128xf32, #tpu.memory_space<hbm>> -> memref<208x128xf32, #tpu.memory_space<hbm>>
    %dma_wait3A_196 = tpu.memref_slice %arg8[%dma_wait3A_189] : memref<4x!tpu.dma_semaphore, #tpu.memory_space<semaphore_mem>> -> memref<1x!tpu.dma_semaphore, #tpu.memory_space<semaphore_mem>>
    %dma_wait3A_197 = tpu.memref_squeeze %dma_wait3A_196 : memref<1x!tpu.dma_semaphore, #tpu.memory_space<semaphore_mem>> -> memref<!tpu.dma_semaphore, #tpu.memory_space<semaphore_mem>>
    %dma_wait3A_198 = arith.constant 0 : i32
    %dma_wait3A_199 = tpu.memref_slice %arg4[%add3A_187, %dma_wait3A_198] : memref<425984x128xf32, #tpu.memory_space<hbm>> -> memref<208x128xf32, #tpu.memory_space<hbm>>
    %dma_wait3A_200 = arith.constant 0 : i32
    %dma_wait3A_201 = arith.constant 0 : i32
    %dma_wait3A_202 = tpu.memref_slice %arg6[%dma_wait3A_188, %dma_wait3A_200, %dma_wait3A_201] : memref<4x208x128xf32, #tpu.memory_space<vmem>> -> memref<1x208x128xf32, #tpu.memory_space<vmem>>
    %dma_wait3A_203 = tpu.memref_squeeze %dma_wait3A_202 : memref<1x208x128xf32, #tpu.memory_space<vmem>> -> memref<208x128xf32, #tpu.memory_space<vmem>>
    tpu.wait_dma2 semaphore(%dma_wait3A_197 : memref<!tpu.dma_semaphore, #tpu.memory_space<semaphore_mem>>) src(%dma_wait3A_203 : memref<208x128xf32, #tpu.memory_space<vmem>>) dst(%dma_wait3A_199 : memref<208x128xf32, #tpu.memory_space<hbm>>)
    %dma_wait3A_204 = arith.constant 3 : i32
    %dma_wait3A_205 = arith.constant 3 : i32
    %dma_wait3A_206 = arith.constant 0 : i32
    %dma_wait3A_207 = arith.constant 0 : i32
    %dma_wait3A_208 = tpu.memref_slice %arg6[%dma_wait3A_204, %dma_wait3A_206, %dma_wait3A_207] : memref<4x208x128xf32, #tpu.memory_space<vmem>> -> memref<1x208x128xf32, #tpu.memory_space<vmem>>
    %dma_wait3A_209 = tpu.memref_squeeze %dma_wait3A_208 : memref<1x208x128xf32, #tpu.memory_space<vmem>> -> memref<208x128xf32, #tpu.memory_space<vmem>>
    %dma_wait3A_210 = arith.constant 13104 : i32
    %dma_wait3A_211 = tpu.memref_slice %arg5[%dma_wait3A_210] : memref<13312xi32, #tpu.memory_space<vmem>> -> memref<208xi32, #tpu.memory_space<vmem>>
    %dma_wait3A_212 = arith.constant 0 : i32
    %dma_wait3A_213 = arith.constant 0 : i32
    %dma_wait3A_214 = tpu.memref_slice %arg2[%dma_wait3A_212, %dma_wait3A_213] : memref<1000000x128xf32, #tpu.memory_space<hbm>> -> memref<1000000x128xf32, #tpu.memory_space<hbm>>
    %dma_wait3A_215 = tpu.memref_slice %arg7[%dma_wait3A_205] : memref<4x!tpu.dma_semaphore, #tpu.memory_space<semaphore_mem>> -> memref<1x!tpu.dma_semaphore, #tpu.memory_space<semaphore_mem>>
    %dma_wait3A_216 = tpu.memref_squeeze %dma_wait3A_215 : memref<1x!tpu.dma_semaphore, #tpu.memory_space<semaphore_mem>> -> memref<!tpu.dma_semaphore, #tpu.memory_space<semaphore_mem>>
    tpu.wait_indirect_dma semaphore(%dma_wait3A_216 : memref<!tpu.dma_semaphore, #tpu.memory_space<semaphore_mem>>) src(%dma_wait3A_214 : memref<1000000x128xf32, #tpu.memory_space<hbm>>) dst(%dma_wait3A_209 : memref<208x128xf32, #tpu.memory_space<vmem>>)
    %add3A_217 = arith.constant 13104 : i32
    %add3A_218 = arith.addi %mul3A_2, %add3A_217 : i32
    %dma_start3A_219 = arith.constant 3 : i32
    %dma_start3A_220 = arith.constant 3 : i32
    %dma_start3A_221 = arith.constant 0 : i32
    %dma_start3A_222 = arith.constant 0 : i32
    %dma_start3A_223 = tpu.memref_slice %arg6[%dma_start3A_219, %dma_start3A_221, %dma_start3A_222] : memref<4x208x128xf32, #tpu.memory_space<vmem>> -> memref<1x208x128xf32, #tpu.memory_space<vmem>>
    %dma_start3A_224 = tpu.memref_squeeze %dma_start3A_223 : memref<1x208x128xf32, #tpu.memory_space<vmem>> -> memref<208x128xf32, #tpu.memory_space<vmem>>
    %dma_start3A_225 = arith.constant 0 : i32
    %dma_start3A_226 = tpu.memref_slice %arg4[%add3A_218, %dma_start3A_225] : memref<425984x128xf32, #tpu.memory_space<hbm>> -> memref<208x128xf32, #tpu.memory_space<hbm>>
    %dma_start3A_227 = tpu.memref_slice %arg8[%dma_start3A_220] : memref<4x!tpu.dma_semaphore, #tpu.memory_space<semaphore_mem>> -> memref<1x!tpu.dma_semaphore, #tpu.memory_space<semaphore_mem>>
    %dma_start3A_228 = tpu.memref_squeeze %dma_start3A_227 : memref<1x!tpu.dma_semaphore, #tpu.memory_space<semaphore_mem>> -> memref<!tpu.dma_semaphore, #tpu.memory_space<semaphore_mem>>
    %dma_start3A_229 = arith.constant 0 : i32
    %dma_start3A_230 = tpu.memref_slice %arg4[%add3A_218, %dma_start3A_229] : memref<425984x128xf32, #tpu.memory_space<hbm>> -> memref<208x128xf32, #tpu.memory_space<hbm>>
    %dma_start3A_231 = arith.constant 0 : i32
    %dma_start3A_232 = arith.constant 0 : i32
    %dma_start3A_233 = tpu.memref_slice %arg6[%dma_start3A_219, %dma_start3A_231, %dma_start3A_232] : memref<4x208x128xf32, #tpu.memory_space<vmem>> -> memref<1x208x128xf32, #tpu.memory_space<vmem>>
    %dma_start3A_234 = tpu.memref_squeeze %dma_start3A_233 : memref<1x208x128xf32, #tpu.memory_space<vmem>> -> memref<208x128xf32, #tpu.memory_space<vmem>>
    tpu.enqueue_dma source(%dma_start3A_234 : memref<208x128xf32, #tpu.memory_space<vmem>>) target(%dma_start3A_230 : memref<208x128xf32, #tpu.memory_space<hbm>>) target_semaphore(%dma_start3A_228 : memref<!tpu.dma_semaphore, #tpu.memory_space<semaphore_mem>>)
    %add3A_235 = arith.constant 13104 : i32
    %add3A_236 = arith.addi %mul3A_2, %add3A_235 : i32
    %dma_wait3A_237 = arith.constant 3 : i32
    %dma_wait3A_238 = arith.constant 3 : i32
    %dma_wait3A_239 = arith.constant 0 : i32
    %dma_wait3A_240 = arith.constant 0 : i32
    %dma_wait3A_241 = tpu.memref_slice %arg6[%dma_wait3A_237, %dma_wait3A_239, %dma_wait3A_240] : memref<4x208x128xf32, #tpu.memory_space<vmem>> -> memref<1x208x128xf32, #tpu.memory_space<vmem>>
    %dma_wait3A_242 = tpu.memref_squeeze %dma_wait3A_241 : memref<1x208x128xf32, #tpu.memory_space<vmem>> -> memref<208x128xf32, #tpu.memory_space<vmem>>
    %dma_wait3A_243 = arith.constant 0 : i32
    %dma_wait3A_244 = tpu.memref_slice %arg4[%add3A_236, %dma_wait3A_243] : memref<425984x128xf32, #tpu.memory_space<hbm>> -> memref<208x128xf32, #tpu.memory_space<hbm>>
    %dma_wait3A_245 = tpu.memref_slice %arg8[%dma_wait3A_238] : memref<4x!tpu.dma_semaphore, #tpu.memory_space<semaphore_mem>> -> memref<1x!tpu.dma_semaphore, #tpu.memory_space<semaphore_mem>>
    %dma_wait3A_246 = tpu.memref_squeeze %dma_wait3A_245 : memref<1x!tpu.dma_semaphore, #tpu.memory_space<semaphore_mem>> -> memref<!tpu.dma_semaphore, #tpu.memory_space<semaphore_mem>>
    %dma_wait3A_247 = arith.constant 0 : i32
    %dma_wait3A_248 = tpu.memref_slice %arg4[%add3A_236, %dma_wait3A_247] : memref<425984x128xf32, #tpu.memory_space<hbm>> -> memref<208x128xf32, #tpu.memory_space<hbm>>
    %dma_wait3A_249 = arith.constant 0 : i32
    %dma_wait3A_250 = arith.constant 0 : i32
    %dma_wait3A_251 = tpu.memref_slice %arg6[%dma_wait3A_237, %dma_wait3A_249, %dma_wait3A_250] : memref<4x208x128xf32, #tpu.memory_space<vmem>> -> memref<1x208x128xf32, #tpu.memory_space<vmem>>
    %dma_wait3A_252 = tpu.memref_squeeze %dma_wait3A_251 : memref<1x208x128xf32, #tpu.memory_space<vmem>> -> memref<208x128xf32, #tpu.memory_space<vmem>>
    tpu.wait_dma2 semaphore(%dma_wait3A_246 : memref<!tpu.dma_semaphore, #tpu.memory_space<semaphore_mem>>) src(%dma_wait3A_252 : memref<208x128xf32, #tpu.memory_space<vmem>>) dst(%dma_wait3A_248 : memref<208x128xf32, #tpu.memory_space<hbm>>)
    return
  }
}

</mosaic_0001>

<sc_bundles>
// kernel: kernel.3.cloned.1.call-start
scs
__scs_entry_jumppad:
0x0: {  	(pc) =	sbr.rel $0x88, $3  }
0x1: {  	(tag) =	ssettag $0x0;
	lr =	simm.s32 $0x1  }
0x2: {  	[smem:$0x3F9F] =	sst lr;
	_ =	strace $0xD0000000  }
0x3: {  	_ = 	snop  }
0x4: {  	_ = 	snop  }
0x5: {  	_ = 	snop  }
0x6: {  	_ = 	snop  }
0x7: {  	_ = 	snop  }
__scs_overlays_trampoline_lowered:
0x8: {  	[smem:$0x3FAE] =	sst s0  }
0x9: {  	[smem:$0x3FAF] =	sst s1  }
0xa: {  	[smem:$0x3FB0] =	sst s2  }
0xb: {  	[smem:$0x3FB1] =	sst s3  }
0xc: {  	[smem:$0x3FB2] =	sst s4  }
0xd: {  	[smem:$0x3FB3] =	sst s5  }
0xe: {  	[smem:$0x3FB4] =	sst s6  }
0xf: {  	[smem:$0x3FB5] =	sst s7  }
0x10: {  	[smem:$0x3FB6] =	sst s8  }
0x11: {  	[smem:$0x3FB7] =	sst s9;
	s0 =	simm.s32 @!p0 $0x0  }
0x12: {  	s1 =	sld [smem:$0x3F9D];
	s0 =	simm.s32 @p0 $0x1  }
0x13: {  	[smem:$0x3FB8] =	sst s0;
	s0 =	simm.s32 @!p1 $0x0  }
0x14: {  	s2 =	sld [smem:$0x3F9C];
	s0 =	simm.s32 @p1 $0x1  }
0x15: {  	[smem:$0x3FB9] =	sst s0;
	s0 =	simm.s32 @!p2 $0x0  }
0x16: {  	s3 =	sld [smem:$0x3FDB];
	s0 =	simm.s32 @p2 $0x1  }
0x17: {  	s4 =	simm.s32 $0x1BF5;
	[smem:$0x3FBB] =	sst s0  }
0x18: {  	s0 =	sld [smem:$0x3F9E];
	_ =	swait.ge [sflag:s4], $0x0  }
0x19: {  	s7 =	sld [smem:$0x3F9F]  }
0x1a: {  	s8 =	sadd.s32 $0xFFFFE003, lr  }
0x1b: {  	s9 =	sadd.s32 $0xFFFFFEF7, lr;
	s5 =	simm.s32 $0xFFFFFFFF;
	p2 =	slt.u32 s8, $0xFFFFF086  }
0x1c: {  	p1 =	slt.u32 s9, $0xF7A;
	s5 =	simm.s32 @!p2 $0x0  }
0x1d: {  	s5 =	simm.s32 @p1 $0x1;
	p0 =	seq.s32 s7, s2  }
0x1e: {  	s7 =	smul.u32 @!p0 $0xF7A, s2;
	p2 =	seq.s32 @!p0 s5, $0x0  }
0x1f: {  	s9 =	smul.u32 $0xF7A, s1;
	s8 =	simm.s32 @!p0 $0x1BF5;
	p2 =	por !p2, p0  }
0x20: {  	[sflag:s8] =	ssyncset.s32 @!p0 $0xFFFFF086;
	s6 =	sadd.s32 @!p0 s3, s7;
	s7 =	simm.s32 @!p0 $0x108  }
0x21: {  	s3 =	sadd.s32 s3, s9;
	s6 =	sadd.s32 @!p0 $0x88, s6;
	s7 =	simm.s32 @p2 $0x1082  }
0x22: {  	[simem:s7], [sflag:s8] =	dma.local @!p0 [hbm:s6], $0xF7A  }
0x23: {  	s9 =	sor.u32 $0xD0000000, s2;
	s6 =	simm.s32 $0x108;
	_ =	swait.ge @!p0 [sflag:s8], $0x0  }
0x24: {  	s3 =	sadd.s32 $0x88, s3;
	s6 =	simm.s32 @!p1 $0x1082;
	[sflag:s4] =	ssyncset.s32 $0xFFFFF086  }
0x25: {  	[simem:s6], [sflag:s4] =	dma.local [hbm:s3], $0xF7A  }
0x26: {  	[smem:$0x3F9F] =	sst s1;
	(tag) =	ssettag s2;
	_ =	strace s9  }
0x27: {  	s1 =	sld [smem:$0x3FAF]  }
0x28: {  	s2 =	sld [smem:$0x3FB0]  }
0x29: {  	s4 =	sld [smem:$0x3FB2]  }
0x2a: {  	p0 =	seq.s32 s5, $0x0;
	s5 =	sld [smem:$0x3FB3]  }
0x2b: {  	s6 =	sld [smem:$0x3FB4]  }
0x2c: {  	s7 =	sld [smem:$0x3FB5]  }
0x2d: {  	s3 =	simm.s32 $0x108;
	s8 =	sld [smem:$0x3FB6]  }
0x2e: {  	s3 =	simm.s32 @!p0 $0x1082;
	s9 =	sld [smem:$0x3FB7]  }
0x2f: {  	lr =	sadd.s32 s0, s3;
	s0 =	sld [smem:$0x3FAE]  }
0x30: {  	s3 =	sld [smem:$0x3FB1]  }
0x31: {  	[smem:$0x3FBA] =	sst s10  }
0x32: {  	s10 =	sld [smem:$0x3FB8];
	_ =	sdelay $0x3  }
0x33: {  	p0 =	seq.s32 s10, $0x1;
	s10 =	sld [smem:$0x3FBA];
	_ =	sdelay $0x3  }
0x34: {  	[smem:$0x3FBA] =	sst s10  }
0x35: {  	s10 =	sld [smem:$0x3FB9];
	_ =	sdelay $0x3  }
0x36: {  	p1 =	seq.s32 s10, $0x1;
	s10 =	sld [smem:$0x3FBA];
	_ =	sdelay $0x3  }
0x37: {  	[smem:$0x3FBA] =	sst s10  }
0x38: {  	s10 =	sld [smem:$0x3FBB]  }
0x39: {  	_ = 	snop;
	(pc) =	sbr.ind lr, $3  }
0x3a: {  	_ = 	snop  }
0x3b: {  	_ = 	snop  }
0x3c: {  	p2 =	seq.s32 s10, $0x1;
	s10 =	sld [smem:$0x3FBA]  }
0x3d: {  	_ =	shalt  }
0x3e: {  	_ =	shalt  }
0x3f: {  	_ =	shalt  }
0x40: {  	_ =	shalt  }
0x41: {  	_ =	shalt  }
0x42: {  	_ =	shalt  }
0x43: {  	_ =	shalt  }
0x44: {  	_ =	shalt  }
0x45: {  	_ =	shalt  }
0x46: {  	_ =	shalt  }
0x47: {  	_ =	shalt  }
0x48: {  	_ =	shalt  }
0x49: {  	_ =	shalt  }
0x4a: {  	_ =	shalt  }
0x4b: {  	_ =	shalt  }
0x4c: {  	_ =	shalt  }
0x4d: {  	_ =	shalt  }
0x4e: {  	_ =	shalt  }
0x4f: {  	_ =	shalt  }
0x50: {  	_ =	shalt  }
0x51: {  	_ =	shalt  }
0x52: {  	_ =	shalt  }
0x53: {  	_ =	shalt  }
0x54: {  	_ =	shalt  }
0x55: {  	_ =	shalt  }
0x56: {  	_ =	shalt  }
0x57: {  	_ =	shalt  }
0x58: {  	_ =	shalt  }
0x59: {  	_ =	shalt  }
0x5a: {  	_ =	shalt  }
0x5b: {  	_ =	shalt  }
0x5c: {  	_ =	shalt  }
0x5d: {  	_ =	shalt  }
0x5e: {  	_ =	shalt  }
0x5f: {  	_ =	shalt  }
0x60: {  	_ =	shalt  }
0x61: {  	_ =	shalt  }
0x62: {  	_ =	shalt  }
0x63: {  	_ =	shalt  }
0x64: {  	_ =	shalt  }
0x65: {  	_ =	shalt  }
0x66: {  	_ =	shalt  }
0x67: {  	_ =	shalt  }
0x68: {  	_ =	shalt  }
0x69: {  	_ =	shalt  }
0x6a: {  	_ =	shalt  }
0x6b: {  	_ =	shalt  }
0x6c: {  	_ =	shalt  }
0x6d: {  	_ =	shalt  }
0x6e: {  	_ =	shalt  }
0x6f: {  	_ =	shalt  }
0x70: {  	_ =	shalt  }
0x71: {  	_ =	shalt  }
0x72: {  	_ =	shalt  }
0x73: {  	_ =	shalt  }
0x74: {  	_ =	shalt  }
0x75: {  	_ =	shalt  }
0x76: {  	_ =	shalt  }
0x77: {  	_ =	shalt  }
0x78: {  	_ =	shalt  }
0x79: {  	_ =	shalt  }
0x7a: {  	_ =	shalt  }
0x7b: {  	_ =	shalt  }
0x7c: {  	_ =	shalt  }
0x7d: {  	_ =	shalt  }
0x7e: {  	_ =	shalt  }
0x7f: {  	_ =	shalt  }
0x80: {  	_ =	shalt  }
0x81: {  	_ =	shalt  }
0x82: {  	_ =	shalt  }
0x83: {  	_ =	shalt  }
0x84: {  	_ =	shalt  }
0x85: {  	_ =	shalt  }
0x86: {  	_ =	shalt  }
0x87: {  	_ =	shalt  }
.Lfunc_end0:
.L_simem_size_0:
called_computation.1_lowered:
.L_overlay_start_0:
0x88: {  	s2 =	sld [smem:$0x3FD9]  }
0x89: {  	s3 =	sld [smem:$0x3FFE];
	_ =	sdelay $0x1  }
0x8a: {  	s1 =	srdreg.scid  }
0x8b: {  	s0 =	sand.u32 $0x1, s1  }
0x8c: {  	s17 =	sshll.u32 s0, $0xA;
	s2 =	sadd.s32 s3, s2  }
0x8d: {  	s2 =	sadd.s32 s2, s17  }
0x8e: {  	[smem:$0x3FC6] =	sst s2  }
0x8f: {  	_ = 	snop  }
0x90: {  	s2 =	sld [smem:$0x3FD0];
	(tm) =	ssettm $0x1  }
0x91: {  	s18 =	sld [smem:$0x3FFB];
	_ =	sdelay $0x3  }
0x92: {  	_ =	strace s18  }
0x93: {  	s3 =	sld [smem:$0x3FFC];
	_ =	sdelay $0x3  }
0x94: {  	_ =	strace s3  }
0x95: {  	s3 =	sld [smem:$0x3FFD];
	_ =	sdelay $0x3  }
0x96: {  	_ =	strace s3  }
0x97: {  	_ =	strace $0x8FFFFFFF  }
0x98: {  	s19 =	sld [smem:$0x3FDB];
	_ =	sdelay $0x1  }
0x99: {  	s4 =	simm.s32 $_scs_section_size  }
0x9a: {  	s5 =	simm.s32 $_size__tile_overlayer_lowered;
	s6 =	simm.s32 $_tile_overlayer_lowered  }
0x9b: {  	s22 =	simm.s32 $0x1BFF;
	s21 =	sshll.u32 s6, $0x1;
	s3 =	sadd.s32 s4, s19  }
0x9c: {  	s7 =	simm.s32 $0x0;
	s20 =	sshll.u32 s5, $0x1;
	s5 =	sadd.s32 s21, s3  }
0x9d: {  	[timem:s7], [sflag:s22] =	dma.local [hbm:s5], s20  }
0x9e: {  	_ =	swait.ge [sflag:s22], s20  }
0x9f: {  	s4 =	ssub.s32 $0x0, s20;
	[sflag:s22] =	ssyncset.done $0x0  }
0xa0: {  	[sflag:s22] =	ssyncadd.s32 s4;
	_ =	sdelay $0x1  }
0xa1: {  	s23 =	simm.s32 $0x1B8B  }
0xa2: {  	_ =	swait.ge [sflag:s23], $0x1  }
0xa3: {  	[sflag:s23] =	ssyncset.done $0x0  }
0xa4: {  	s25 =	simm.s32 $0x1B8E;
	s24 =	sld [smem:$0x3FFE];
	[sflag:s23] =	ssyncadd.s32 $0xFFFFFFFF  }
0xa5: {  	s26 =	simm.s32 $execute0_lowered;
	[smem:$0x3FD2] =	sst s25  }
0xa6: {  	s5 =	sshll.u32 s26, $0x1;
	_ =	strace $0x80000046;
	[dreg:$0x1] =	wrdreg $0xFFFFFFFF  }
0xa7: {  	s28 =	simm.s32 $_size_execute0_lowered;
	s3 =	sadd.s32 s3, s5;
	[dreg:$0x0] =	wrdreg $0x0  }
0xa8: {  	s5 =	sshll.u32 s28, $0x1;
	[dreg:$0x2] =	wrdreg s3  }
0xa9: {  	[dreg:$0x3] =	wrdreg s5  }
0xaa: {  	[dreg:$0x4] =	wrdreg $0xC0  }
0xab: {  	_ =	task [dreg:s7], $0x5FFFF  }
0xac: {  	[dreg:$0x1] =	wrdreg $0xFFFFFFFF  }
0xad: {  	[dreg:$0x0] =	wrdreg $0x60  }
0xae: {  	[dreg:$0x2] =	wrdreg s24  }
0xaf: {  	[dreg:$0x3] =	wrdreg s2  }
0xb0: {  	[dreg:$0x4] =	wrdreg $0x9  }
0xb1: {  	_ =	task.clear_ibuf [dreg:s7], $0x5FFFF;
	_ =	strace $0x90000046  }
0xb2: {  	s29 =	simm.s32 $0x9;
	_ =	strace $0x80000048  }
0xb3: {  	_ =	swait.ge [sflag:s29], $0x1  }
0xb4: {  	[sflag:s29] =	ssyncadd.s32 $0xFFFFFFFF  }
0xb5: {  	_ =	strace $0x90000048  }
0xb6: {  	_ =	sfence  }
0xb7: {  	s30 =	sld [smem:$0x0];
	_ =	sdelay $0x2  }
0xb8: {  	s31 =	sshll.u32 s1, $0xD;
	s1 =	sshrl.u32 s1, $0x2  }
0xb9: {  	s3 =	sand.u32 $0x4000, s31;
	s1 =	sadd.s32 s1, s30  }
0xba: {  	s0 =	sor.u32 s3, s0;
	s1 =	sshll.u32 s1, $0x11  }
0xbb: {  	s0 =	sor.u32 s1, s0  }
0xbc: {  	s0 =	sadd.s32 $0x8F2B, s0  }
0xbd: {  	[sflag:s0] =	ssyncadd.remote.s32 $0x1  }
0xbe: {  	_ =	sfence.sel $0xFFFF  }
0xbf: {  	[dreg:$0x0] =	wrdreg $0xFFFFFFFF;
	(pc) =	sbr.abs _section_cstart, $3  }
0xc0: {  	[dreg:$0x1] =	wrdreg $0xFFFFFFFF  }
0xc1: {  	_ =	task.clear_ibuf [dreg:s7], $0x2FFFF;
	_ =	strace $0x9FFFFFFF  }
0xc2: {  	(tm) =	ssettm $0x7FFFFFFF  }
0xc3: {  	_ =	shalt  }
tec
execute0_lowered:
.L_overlay_start_1:
0x0: {  	(tag) =	ssettag $0x1  }
0x1: {  	s0 =	rddreg [dreg:$0x0]  }
0x2: {  	s1 =	srdreg.scid;
	s10 =	stileid.u32  }
0x3: {  	s4 =	rddreg [dreg:$0x1];
	s2 =	simm.s32 $0x0;
	s11 =	simm.s32 $0x9  }
0x4: {  	s12 =	simm.s32 $0xD0;
	s13 =	simm.s32 $0x3400;
	s14 =	simm.s32 $0x9C00  }
0x5: {  	s16 =	simm.s32 $0x10400;
	s18 =	simm.s32 $0x16C00;
	s19 =	simm.s32 $0x5  }
0x6: {  	s20 =	simm.s32 $0x2;
	s21 =	simm.s32 $0x6;
	s22 =	simm.s32 $0x3  }
0x7: {  	s23 =	simm.s32 $0x7;
	s24 =	simm.s32 $0x4;
	s1 =	sand.u32 $0x1, s1  }
0x8: {  	s3 =	sshll.u32 s10, $0x1;
	[smem:$0x7FF] =	sst s2;
	s10 =	smul.u32 $0x6800, s10  }
0x9: {  	s5 =	sor.u32 s1, s3;
	s7 =	ssub.s32 $0x2, s1;
	s1 =	smul.u32 $0x3400, s1  }
0xa: {  	s25 =	simm.s32 $0x8;
	_ =	strace $0x80000047;
	s6 =	smul.u32 $0x3400, s5  }
0xb: {  	s26 =	simm.s32 $0x0;
	s3 =	sadd.s32 $0xF42E00, s0;
	s8 =	smul.u32 $0x1A0000, s5  }
0xc: {  	s0 =	sadd.s32 $0xA00, s0;
	s9 =	sshrl.u32 s7, $0x1;
	s5 =	smul.u32 $0x34000, s5  }
0xd: {  	s9 =	ssub.s32 s7, s9;
	s1 =	sadd.s32 s1, s10;
	s6 =	sshrl.u32 s6, $0x3  }
0xe: {  	s31 =	sshrl.u32 s8, $0x3;
	s5 =	sadd.s32 s0, s5;
	s1 =	sshll.u32 s1, $0x4  }
0xf: {  	s9 =	smax.u32 s9, $0x1;
	s4 =	sadd.s32 s4, s6;
	s8 =	sadd.s32 s0, s31  }
0x10: {  	s0 =	sadd.s32 s1, s0;
	[dreg:$0x3] =	wrdreg s4;
	s6 =	sadd.s32 $0x31900, s8  }
0x11: {  	s7 =	sadd.s32 $0x32600, s8;
	s8 =	sadd.s32 $0x33300, s8;
	s10 =	sadd.s32 $0xD00, s0  }
.LBB2_1:
0x12: {  	s0 =	rddreg [dreg:$0x3]  }
0x13: {  	[tilespmem:s2], [sflag:$0x9] =	stream.linear.gather [hbm4b:s0+s2], $0x3400, $0x38;
	[tilespmem:$0x1D400] =	vst v63  }
0x14: {  	_ =	swait.ge [sflag:s11], $0x3400  }
0x15: {  	[sflag:s11] =	ssyncset.done $0x0  }
0x16: {  	[sflag:s11] =	ssyncadd.s32 $0xFFFFCC00  }
0x17: {  	[tilespmem:s13], [sflag:$0x1] =	stream.indirect.gather [hbm4b:s3+s12], $0x80, s2, s12, $0xb8;
	[tilespmem:$0x1D400] =	vst v63  }
0x18: {  	_ = 	snop  }
0x19: {  	[tilespmem:s14], [sflag:$0x2] =	stream.indirect.gather [hbm4b:s3+s12], $0x80, s12, s12, $0xb8;
	[tilespmem:$0x1D400] =	vst v63  }
0x1a: {  	s17 =	simm.s32 $0x1A0  }
0x1b: {  	[tilespmem:s16], [sflag:$0x3] =	stream.indirect.gather [hbm4b:s3+s12], $0x80, s17, s12, $0xb8;
	[tilespmem:$0x1D400] =	vst v63  }
0x1c: {  	s1 =	simm.s32 $0x270  }
0x1d: {  	[tilespmem:s18], [sflag:$0x4] =	stream.indirect.gather [hbm4b:s3+s12], $0x80, s1, s12, $0xb8;
	[tilespmem:$0x1D400] =	vst v63  }
0x1e: {  	s4 =	simm.s32 $0x1;
	s29 =	simm.s32 $0x340;
	s1 =	simm.s32 $0x0  }
0x1f: {  	s30 =	sand.u32 $0x3, s4;
	_ =	swait.ge [sflag:s4], $0x6800;
	s1 =	sand.u32 $0x3, s1  }
0x20: {  	s31 =	sadd.s32 $0x1, s30;
	[sflag:s4] =	ssyncset.done $0x0;
	s15 =	sadd.s32 $0x5, s1  }
0x21: {  	s28 =	smul.u32 $0x1A000, s1;
	s1 =	sadd.s32 $0x1, s1;
	[sflag:s4] =	ssyncadd.s32 $0xFFFF9800  }
0x22: {  	[hbm4b:s5+s2] =	stream.linear.scatter [tilespmem:s13], [sflag:$0x5], $0x6800, $0x38;
	[tilespmem:$0x1D400] =	vst v63  }
0x23: {  	s4 =	smul.u32 $0x1A000, s30;
	s17 =	sshrl.u32 s28, $0x2;
	_ =	swait.ge [sflag:s15], $0x6800  }
0x24: {  	s28 =	simm.s32 $0x410;
	s0 =	sadd.s32 $0x3400, s17;
	[sflag:s15] =	ssyncset.done $0x0  }
0x25: {  	s17 =	sshrl.u32 s4, $0x2;
	[sflag:s15] =	ssyncadd.s32 $0xFFFF9800;
	s15 =	sadd.s32 $0x5, s30  }
0x26: {  	[tilespmem:s0], [sflag:s1] =	stream.indirect.gather [hbm4b:s3+s12], $0x80, s29, s12, $0xb8;
	[tilespmem:$0x1D400] =	vst v63  }
0x27: {  	s30 =	smov.u32 s10;
	s0 =	simm.s32 $0x2;
	_ =	swait.ge [sflag:s31], $0x6800  }
0x28: {  	s1 =	sadd.s32 $0x3400, s17;
	s29 =	sadd.s32 $0xD00, s10;
	[sflag:s31] =	ssyncset.done $0x0  }
.LBB2_2:
0x29: {  	s17 =	sadd.s32 $0xFFFFFFFF, s0  }
0x2a: {  	[sflag:s31] =	ssyncadd.s32 $0xFFFF9800;
	s31 =	smov.u32 s0;
	s4 =	sadd.s32 $0x1, s0  }
0x2b: {  	[hbm4b:s30+s2] =	stream.linear.scatter [tilespmem:s1], [sflag:s15], $0x6800, $0x38;
	[tilespmem:$0x1D400] =	vst v63  }
0x2c: {  	p0 =	sne.s32 s0, $0x3C;
	s1 =	sand.u32 $0x3, s17;
	s30 =	smov.u32 s29  }
0x2d: {  	s0 =	sadd.s32 $0x5, s1;
	s15 =	smul.u32 $0x1A000, s1  }
0x2e: {  	s1 =	sadd.s32 $0x1, s1;
	_ =	swait.ge [sflag:s0], $0x6800  }
0x2f: {  	s17 =	sand.u32 $0x3, s31;
	s15 =	sshrl.u32 s15, $0x2;
	[sflag:s0] =	ssyncset.done $0x0  }
0x30: {  	[sflag:s0] =	ssyncadd.s32 $0xFFFF9800;
	s0 =	smul.u32 $0x1A000, s17  }
.Ltmp0:
0x31: {  	s15 =	sadd.s32 $0x3400, s15;
	(pc) =	sbr.rel @p0 .LBB2_2-.Ltmp0, $4  }
0x32: {  	[tilespmem:s15], [sflag:s1] =	stream.indirect.gather [hbm4b:s3+s12], $0x80, s28, s12, $0xb8;
	[tilespmem:$0x1D400] =	vst v63  }
0x33: {  	s29 =	sadd.s32 $0xD00, s29;
	s31 =	sadd.s32 $0x1, s17;
	s0 =	sshrl.u32 s0, $0x2  }
0x34: {  	s28 =	sadd.s32 $0xD0, s28;
	_ =	swait.ge [sflag:s31], $0x6800;
	s1 =	sadd.s32 $0x3400, s0  }
0x35: {  	s15 =	sadd.s32 $0x5, s17;
	s0 =	smov.u32 s4;
	[sflag:s31] =	ssyncset.done $0x0  }
0x36: {  	[sflag:s31] =	ssyncadd.s32 $0xFFFF9800  }
0x37: {  	[hbm4b:s30+s2] =	stream.linear.scatter [tilespmem:s1], [sflag:s15], $0x6800, $0x38;
	[tilespmem:$0x1D400] =	vst v63  }
0x38: {  	_ =	swait.ge [sflag:s19], $0x6800  }
0x39: {  	[sflag:s19] =	ssyncset.done $0x0  }
0x3a: {  	[sflag:s19] =	ssyncadd.s32 $0xFFFF9800  }
0x3b: {  	_ =	swait.ge [sflag:s20], $0x6800  }
0x3c: {  	[sflag:s20] =	ssyncset.done $0x0  }
0x3d: {  	[sflag:s20] =	ssyncadd.s32 $0xFFFF9800  }
0x3e: {  	[hbm4b:s6+s2] =	stream.linear.scatter [tilespmem:s14], [sflag:$0x6], $0x6800, $0x38;
	[tilespmem:$0x1D400] =	vst v63  }
0x3f: {  	_ =	swait.ge [sflag:s21], $0x6800  }
0x40: {  	[sflag:s21] =	ssyncset.done $0x0  }
0x41: {  	[sflag:s21] =	ssyncadd.s32 $0xFFFF9800  }
0x42: {  	_ =	swait.ge [sflag:s22], $0x6800  }
0x43: {  	[sflag:s22] =	ssyncset.done $0x0  }
0x44: {  	[sflag:s22] =	ssyncadd.s32 $0xFFFF9800  }
0x45: {  	[hbm4b:s7+s2] =	stream.linear.scatter [tilespmem:s16], [sflag:$0x7], $0x6800, $0x38;
	[tilespmem:$0x1D400] =	vst v63  }
0x46: {  	_ =	swait.ge [sflag:s23], $0x6800  }
0x47: {  	[sflag:s23] =	ssyncset.done $0x0  }
0x48: {  	[sflag:s23] =	ssyncadd.s32 $0xFFFF9800  }
0x49: {  	s26 =	sadd.s32 $0x1, s26;
	_ =	swait.ge [sflag:s24], $0x6800  }
0x4a: {  	p0 =	sne.s32 s26, s9;
	[sflag:s24] =	ssyncset.done $0x0  }
.Ltmp1:
0x4b: {  	[sflag:s24] =	ssyncadd.s32 $0xFFFF9800;
	(pc) =	sbr.rel @p0 .LBB2_1-.Ltmp1, $4  }
0x4c: {  	[hbm4b:s8+s2] =	stream.linear.scatter [tilespmem:s18], [sflag:$0x8], $0x6800, $0x38;
	[tilespmem:$0x1D400] =	vst v63  }
0x4d: {  	_ =	swait.ge [sflag:s25], $0x6800  }
0x4e: {  	[sflag:s25] =	ssyncset.done $0x0  }
0x4f: {  	[sflag:s25] =	ssyncadd.s32 $0xFFFF9800  }
0x50: {  	_ =	sfence.sel $0x180000  }
0x51: {  	[bflag:$0x0] =	sbarrier.arrive $0xFFFF  }
0x52: {  	_ =	strace $0x90000047  }
0x53: {  	s0 =	stileid.u32;
	[bflag:$0x2] =	sbarrier.arrive $0xFFFF  }
0x54: {  	p0 =	sne.s32 s0, $0x0;
	s0 =	rddreg [dreg:$0x2]  }
0x55: {  	s0 =	sadd.s32 @!p0 $0x100000, s0  }
0x56: {  	[sflag:s0] =	ssyncadd.tile.s32 @!p0 $0x1;
	_ =	shalt  }
.Lfunc_end2:
_tile_overlayer_lowered:
.L_overlay_start_2:
0x57: {  	(tag) =	ssettag $0x2  }
0x58: {  	s0 =	rddreg [dreg:$0x0];
	s2 =	stileid.u32  }
0x59: {  	s1 =	rddreg [dreg:$0x1];
	p0 =	sne.s32 s2, $0x0  }
0x5a: {  	s3 =	rddreg [dreg:$0x2];
	[bflag:$0x3] =	sbarrier.arrive $0xFFFF;
	s2 =	simm.s32 @!p0 $0x1C09  }
0x5b: {  	[timem:s3], [sflag:s2] =	dma.local @!p0 [hbm:s0], s1  }
0x5c: {  	s0 =	simm.s32 @!p0 $0x9  }
0x5d: {  	_ =	swait.ge @!p0 [sflag:s0], s1  }
0x5e: {  	s1 =	ssub.s32 @!p0 $0x0, s1;
	[sflag:s0] =	ssyncset.done @!p0 $0x0  }
0x5f: {  	[sflag:s0] =	ssyncadd.s32 @!p0 s1  }
0x60: {  	[bflag:$0x3] =	sbarrier.arrive $0xFFFF  }
0x61: {  	_ =	shalt  }

// kernel: sparse-core-data-format-call.cloned.1.call-start
scs
called_computation_lowered:
.L_overlay_start_0:
0x0: {  	s2 =	sld [smem:$0x3FD9]  }
0x1: {  	s3 =	sld [smem:$0x3FFE];
	_ =	sdelay $0x1  }
0x2: {  	s1 =	srdreg.scid  }
0x3: {  	s0 =	sand.u32 $0x1, s1  }
0x4: {  	s18 =	sshll.u32 s0, $0xA;
	s2 =	sadd.s32 s3, s2  }
0x5: {  	s2 =	sadd.s32 s2, s18  }
0x6: {  	[smem:$0x3FC6] =	sst s2  }
0x7: {  	_ = 	snop  }
0x8: {  	s2 =	sld [smem:$0x3FD0];
	(tm) =	ssettm $0x1  }
0x9: {  	s19 =	sld [smem:$0x3FFB];
	_ =	sdelay $0x3  }
0xa: {  	_ =	strace s19  }
0xb: {  	s3 =	sld [smem:$0x3FFC];
	_ =	sdelay $0x3  }
0xc: {  	_ =	strace s3  }
0xd: {  	s3 =	sld [smem:$0x3FFD];
	_ =	sdelay $0x3  }
0xe: {  	_ =	strace s3  }
0xf: {  	_ =	strace $0x8FFFFFFF  }
0x10: {  	s20 =	sld [smem:$0x3FDB];
	_ =	sdelay $0x1  }
0x11: {  	s4 =	simm.s32 $_scs_section_size  }
0x12: {  	s5 =	simm.s32 $_size__tile_overlayer_lowered;
	s6 =	simm.s32 $_tile_overlayer_lowered  }
0x13: {  	s23 =	simm.s32 $0x1BFF;
	s22 =	sshll.u32 s6, $0x1;
	s3 =	sadd.s32 s4, s20  }
0x14: {  	s7 =	simm.s32 $0x0;
	s21 =	sshll.u32 s5, $0x1;
	s5 =	sadd.s32 s22, s3  }
0x15: {  	[timem:s7], [sflag:s23] =	dma.local [hbm:s5], s21  }
0x16: {  	_ =	swait.ge [sflag:s23], s21  }
0x17: {  	s4 =	ssub.s32 $0x0, s21;
	[sflag:s23] =	ssyncset.done $0x0  }
0x18: {  	[sflag:s23] =	ssyncadd.s32 s4;
	_ =	sdelay $0x1  }
0x19: {  	s24 =	simm.s32 $0x1B8B  }
0x1a: {  	_ =	swait.ge [sflag:s24], $0x1  }
0x1b: {  	[sflag:s24] =	ssyncset.done $0x0  }
0x1c: {  	s26 =	simm.s32 $0x1B8E;
	s25 =	sld [smem:$0x3FFE];
	[sflag:s24] =	ssyncadd.s32 $0xFFFFFFFF  }
0x1d: {  	s27 =	simm.s32 $execute0_lowered;
	[smem:$0x3FD2] =	sst s26  }
0x1e: {  	s5 =	sshll.u32 s27, $0x1;
	_ =	strace $0x80000049;
	[dreg:$0x1] =	wrdreg $0xFFFFFFFF  }
0x1f: {  	s28 =	simm.s32 $_size_execute0_lowered;
	s3 =	sadd.s32 s3, s5;
	[dreg:$0x0] =	wrdreg $0x0  }
0x20: {  	s5 =	sshll.u32 s28, $0x1;
	[dreg:$0x2] =	wrdreg s3  }
0x21: {  	[dreg:$0x3] =	wrdreg s5  }
0x22: {  	[dreg:$0x4] =	wrdreg $0xC0  }
0x23: {  	_ =	task [dreg:s7], $0x5FFFF  }
0x24: {  	[dreg:$0x1] =	wrdreg $0xFFFFFFFF  }
0x25: {  	[dreg:$0x0] =	wrdreg $0x60  }
0x26: {  	[dreg:$0x2] =	wrdreg s25  }
0x27: {  	[dreg:$0x3] =	wrdreg s2  }
0x28: {  	[dreg:$0x4] =	wrdreg $0x9  }
0x29: {  	_ =	task.clear_ibuf [dreg:s7], $0x5FFFF;
	_ =	strace $0x90000049  }
0x2a: {  	s29 =	simm.s32 $0x9;
	_ =	strace $0x8000004B  }
0x2b: {  	_ =	swait.ge [sflag:s29], $0x1  }
0x2c: {  	[sflag:s29] =	ssyncadd.s32 $0xFFFFFFFF  }
0x2d: {  	_ =	strace $0x9000004B  }
0x2e: {  	_ =	sfence  }
0x2f: {  	s30 =	sld [smem:$0x0];
	_ =	sdelay $0x2  }
0x30: {  	s31 =	sshll.u32 s1, $0xD;
	s1 =	sshrl.u32 s1, $0x2  }
0x31: {  	s3 =	sand.u32 $0x4000, s31;
	s1 =	sadd.s32 s1, s30  }
0x32: {  	s0 =	sor.u32 s3, s0;
	s1 =	sshll.u32 s1, $0x11  }
0x33: {  	s0 =	sor.u32 s1, s0  }
0x34: {  	s0 =	sadd.s32 $0x8F2B, s0  }
0x35: {  	[sflag:s0] =	ssyncadd.remote.s32 $0x1  }
0x36: {  	_ =	sfence.sel $0xFFFF  }
0x37: {  	[dreg:$0x0] =	wrdreg $0xFFFFFFFF;
	(pc) =	sbr.abs _section_cstart, $3  }
0x38: {  	[dreg:$0x1] =	wrdreg $0xFFFFFFFF  }
0x39: {  	_ =	task.clear_ibuf [dreg:s7], $0x2FFFF;
	_ =	strace $0x9FFFFFFF  }
0x3a: {  	(tm) =	ssettm $0x7FFFFFFF  }
0x3b: {  	_ =	shalt  }
tec
execute0_lowered:
.L_overlay_start_1:
0x0: {  	(tag) =	ssettag $0x1  }
0x1: {  	s0 =	srdreg.scid  }
0x2: {  	s1 =	sshll.u32 s0, $0x4  }
0x3: {  	s0 =	stileid.u32;
	s1 =	sand.u32 $0x10, s1  }
0x4: {  	s7 =	rddreg [dreg:$0x0];
	s1 =	sor.u32 s0, s1  }
0x5: {  	s4 =	simm.s32 $0x1;
	s8 =	simm.s32 $0x2;
	s2 =	sshll.u32 s1, $0x7  }
0x6: {  	s13 =	simm.s32 $0x0;
	s9 =	simm.s32 $0x20000;
	s1 =	ssub.s32 $0x4000, s2  }
0x7: {  	s14 =	simm.s32 $0x0;
	s11 =	simm.s32 $0x0;
	s3 =	sand.u32 $0xF80, s1  }
0x8: {  	s12 =	simm.s32 $0x0;
	s5 =	sshrl.u32 s1, $0xC;
	p0 =	sne.s32 s3, $0x0  }
.Ltmp0:
0x9: {  	s1 =	rddreg [dreg:$0x2];
	s4 =	simm.s32 @!p0 $0x0;
	(pc) =	sbr.rel .LBB1_1-.Ltmp0, $4  }
0xa: {  	s6 =	sadd.s32 $0xA00, s7;
	s3 =	rddreg [dreg:$0x1];
	s5 =	sadd.s32 s4, s5  }
0xb: {  	_ =	strace $0x8000004A;
	s4 =	simm.s32 $0x1;
	s5 =	smul.u32 $0xD, s5  }
0xc: {  	s7 =	sadd.s32 $0x40A00, s7;
	s10 =	smov.u32 s2;
	[sflag:s4] =	ssyncpa.u1 $0x0  }
0xd: {  	p0 =	por $0x0, $0x0;
	[sflag:s8] =	ssyncpa.u1 $0x0;
	s8 =	sadd.s32 $0x1, s5  }
.LBB1_7:
0xe: {  	s15 =	sadd.s32 $0x1000, s10  }
0xf: {  	s13 =	sadd.s32 $0x2, s11;
	s17 =	smov.u32 s11;
	p2 =	sgt.s32 s15, $0x3FFF  }
0x10: {  	s17 =	smov.u32 @p2 s13  }
0x11: {  	s15 =	smov.u32 @p2 s2;
	p2 =	sgt.s32 s17, $0x19  }
0x12: {  	s17 =	simm.s32 @p2 $0x0;
	p2 =	sne.s32 s12, s8  }
.Ltmp1:
0x13: {  	p1 =	slt.u32 s12, $0x2;
	(pc) =	sbr.rel @!p2 .LBB1_8-.Ltmp1, $4  }
0x14: {  	s16 =	simm.s32 @!p1 $0x2  }
0x15: {  	s14 =	smov.u32 s11;
	p0 =	por !p0, !p0;
	_ =	swait.ge @!p1 [sflag:s16], $0x4000  }
0x16: {  	s13 =	smov.u32 s10;
	[sflag:s16] =	ssyncset.done @!p1 $0x0;
	s10 =	smov.u32 s15  }
0x17: {  	s12 =	sadd.s32 $0x1, s12;
	[sflag:s16] =	ssyncadd.s32 @!p1 $0xFFFFC000;
	s11 =	smov.u32 s17  }
.LBB1_1:
0x18: {  	p1 =	sge.u32 s12, s5  }
0x19: {  	s15 =	sxor.u32 @!p1 $0xFFFFFFFF, s12;
	s16 =	sshll.u32 @!p1 s11, $0x12  }
0x1a: {  	s17 =	sshll.u32 @!p1 s10, $0x4;
	s19 =	simm.s32 @!p1 $0x40;
	s20 =	simm.s32 @!p1 $0x80  }
0x1b: {  	s15 =	sshll.u32 @!p1 s15, $0xE;
	s17 =	sand.u32 @!p1 $0x3FFF0, s17;
	s18 =	sadd.s32 @!p1 s6, s16  }
0x1c: {  	s16 =	sadd.s32 @!p1 s16, s7;
	s15 =	sand.u32 @!p1 $0x4000, s15;
	s18 =	sadd.s32 @!p1 s17, s18  }
0x1d: {  	[tilespmem:s15], [sflag:$0x1] =	stream.strided.gather @!p1 [hbm4b:s18+s19], $0x2000, s20, s19, $0x38;
	[tilespmem:$0x10100] =	vst v63  }
0x1e: {  	s31 =	sadd.s32 $0xFFFFFFFF, s12;
	s16 =	sadd.s32 @!p1 s17, s16;
	s15 =	sor.u32 @!p1 $0x2000, s15  }
0x1f: {  	[tilespmem:s15], [sflag:$0x1] =	stream.strided.gather @!p1 [hbm4b:s16+s19], $0x2000, s20, s19, $0x38;
	[tilespmem:$0x10100] =	vst v63  }
0x20: {  	p1 =	sge.u32 s31, s5  }
.Ltmp2:
0x21: {  	_ = 	snop;
	(pc) =	sbr.rel @p1 .LBB1_7-.Ltmp2, $1  }
0x22: {  	_ =	sdelay $0x3  }
0x23: {  	s15 =	simm.s32 $0x1;
	s17 =	sand.u32 $0x1, s12  }
0x24: {  	_ =	swait.ge [sflag:s4], $0x4000;
	s15 =	simm.s32 @!p0 $0x0;
	s17 =	smul.u32 $0x10200, s17  }
0x25: {  	p2 =	por $0x1, $0x1;
	[sflag:s4] =	ssyncset.done $0x0;
	s16 =	smul.u32 $0x10200, s15  }
0x26: {  	s18 =	sshll.u32 s15, $0x10;
	[sflag:s4] =	ssyncadd.s32 $0xFFFFC000;
	s30 =	sshrl.u32 s17, $0x2  }
0x27: {  	s31 =	sshrl.u32 s18, $0x2;
	s18 =	simm.s32 $0x0;
	s16 =	sshrl.u32 s16, $0x2  }
0x28: {  	s15 =	sor.u32 $0x8000, s30;
	s17 =	sadd.s32 $0x20, s31;
	s16 =	sor.u32 $0x8000, s16  }
.LBB1_3:
0x29: {  	s19 =	sshll.u32 s18, $0xD  }
0x2a: {  	s19 =	sand.u32 $0x3FFFE000, s19  }
0x2b: {  	s21 =	sadd.s32 s19, s17  }
0x2c: {  	s31 =	smul.u32 $0x8100, s18;
	v3 =	vld [tilespmem:s21+$0x10]  }
0x2d: {  	v1 =	vld [tilespmem:s21+$0xFFFFFFF0]  }
0x2e: {  	s18 =	sshra.s32 s31, $0x2;
	v0 =	vld [tilespmem:s21+$0x0]  }
0x2f: {  	s18 =	sadd.s32 s18, s16;
	v2 =	vld [tilespmem:s21+$0xFFFFFFE0]  }
0x30: {  	s19 =	sadd.s32 $0x0, s18  }
0x31: {  	p1 =	por p2, p2;
	s20 =	simm.s32 $0x4;
	s21 =	sadd.s32 $0x40, s21;
	[tilespmem:s19+$0x1830 ss:$0x81] =	vst.msk $0xffff, v3  }
.LBB1_4:
0x32: {  	v3 =	vld [tilespmem:s21+$0x10];
	p2 =	sne.s32 s20, $0x1FC;
	[tilespmem:s19+$0x810 ss:$0x81] =	vst.msk $0xffff, v1;
	s22 =	smov.u32 s20;
	s20 =	sadd.s32 $0x4, s20  }
.Ltmp3:
0x33: {  	v1 =	vld [tilespmem:s21+$0xFFFFFFF0];
	[tilespmem:s19+$0x1020 ss:$0x81] =	vst.msk $0xffff, v0;
	(pc) =	sbr.rel @p2 .LBB1_4-.Ltmp3, $4  }
0x34: {  	v0 =	vld [tilespmem:s21+$0x0];
	[tilespmem:s19+$0x0 ss:$0x81] =	vst.msk $0xffff, v2  }
0x35: {  	s19 =	sshra.s32 s22, $0x2;
	v2 =	vld [tilespmem:s21+$0xFFFFFFE0]  }
0x36: {  	s19 =	sadd.s32 s19, s18  }
0x37: {  	s21 =	sadd.s32 $0x40, s21;
	[tilespmem:s19+$0x1830 ss:$0x81] =	vst.msk $0xffff, v3  }
.Ltmp4:
0x38: {  	(pc) =	sbr.rel @p1 .LBB1_3-.Ltmp4, $4  }
0x39: {  	_ = 	snop  }
0x3a: {  	[tilespmem:s19+$0x810 ss:$0x81] =	vst.msk $0xffff, v1  }
0x3b: {  	[tilespmem:s19+$0x1020 ss:$0x81] =	vst.msk $0xffff, v0  }
0x3c: {  	s18 =	simm.s32 $0x1;
	p2 =	por $0x0, $0x0;
	[tilespmem:s19+$0x0 ss:$0x81] =	vst.msk $0xffff, v2  }
0x3d: {  	s16 =	sshll.u32 s13, $0x3;
	s17 =	sand.u32 $0x78, s13;
	s14 =	sshll.u32 s14, $0x11  }
.Ltmp5:
0x3e: {  	s30 =	sand.u32 $0x1F800, s13;
	s16 =	sand.u32 $0x3C00, s16;
	(pc) =	sbr.rel .LBB1_7-.Ltmp5, $4  }
0x3f: {  	s31 =	sand.u32 $0x7, s13;
	s14 =	sadd.s32 s3, s14;
	s16 =	sor.u32 s17, s16  }
0x40: {  	s13 =	sshll.u32 s31, $0x12;
	s14 =	sadd.s32 s30, s14;
	s16 =	sshrl.u32 s16, $0x3  }
0x41: {  	s13 =	sor.u32 $0x400, s13;
	s14 =	sadd.s32 s16, s14  }
0x42: {  	[hbm4b:s14+s13] =	stream.strided.scatter [tilespmem:s15], [sflag:$0x2], $0x4000, s9, s13, $0x20;
	[tilespmem:$0x10100] =	vst v63  }
.LBB1_8:
0x43: {  	_ =	sfence.sel $0x180000  }
0x44: {  	s2 =	simm.s32 $0x1;
	[bflag:$0x0] =	sbarrier.arrive $0xFFFF  }
0x45: {  	s31 =	simm.s32 $0x2;
	[sflag:s2] =	ssyncpa.u1 $0x1  }
0x46: {  	[sflag:s31] =	ssyncpa.u1 $0x1  }
0x47: {  	p0 =	sne.s32 s0, $0x0;
	_ =	strace $0x9000004A  }
0x48: {  	s0 =	sadd.s32 @!p0 $0x100000, s1;
	[bflag:$0x2] =	sbarrier.arrive $0xFFFF  }
0x49: {  	[sflag:s0] =	ssyncadd.tile.s32 @!p0 $0x1;
	_ =	shalt  }
.Lfunc_end1:
_tile_overlayer_lowered:
.L_overlay_start_2:
0x4a: {  	(tag) =	ssettag $0x2  }
0x4b: {  	s0 =	rddreg [dreg:$0x0];
	s2 =	stileid.u32  }
0x4c: {  	s1 =	rddreg [dreg:$0x1];
	p0 =	sne.s32 s2, $0x0  }
0x4d: {  	s3 =	rddreg [dreg:$0x2];
	[bflag:$0x3] =	sbarrier.arrive $0xFFFF;
	s2 =	simm.s32 @!p0 $0x1C01  }
0x4e: {  	[timem:s3], [sflag:s2] =	dma.local @!p0 [hbm:s0], s1  }
0x4f: {  	s0 =	simm.s32 @!p0 $0x1  }
0x50: {  	_ =	swait.ge @!p0 [sflag:s0], s1  }
0x51: {  	s1 =	ssub.s32 @!p0 $0x0, s1;
	[sflag:s0] =	ssyncset.done @!p0 $0x0  }
0x52: {  	[sflag:s0] =	ssyncadd.s32 @!p0 s1  }
0x53: {  	[bflag:$0x3] =	sbarrier.arrive $0xFFFF  }
0x54: {  	_ =	shalt  }

</sc_bundles>
